<compile_context>
chip_gen: v7x
topology: tpu7x:2x2x1
jax: 0.10.2.dev20260603
libtpu: 0.0.44.dev20260713+nightly
codegen_flags: <defaults>
</compile_context>

<pallas_src>
import functools

import jax
import jax.numpy as jnp
from jax import lax
from jax.experimental import pallas as pl
from jax.experimental.pallas import tpu as pltpu
from jax.experimental.pallas import tpu_sc as plsc

EMB_DIM = 64
NUM_CORES = 2
NUM_SUBCORES = 16
NUM_WORKERS = NUM_CORES * NUM_SUBCORES
CHUNK = 640


def _make_lookup(total_rows: int):
    chunks_per_worker = total_rows // (NUM_WORKERS * CHUNK)
    mesh = plsc.VectorSubcoreMesh(core_axis_name="c", subcore_axis_name="s")

    @functools.partial(
        pl.kernel,
        mesh=mesh,
        out_type=jax.ShapeDtypeStruct((total_rows, EMB_DIM), jnp.float32),
        scratch_types=[
            pltpu.VMEM((chunks_per_worker, CHUNK), jnp.int32),
            pltpu.VMEM((CHUNK, EMB_DIM), jnp.float32),
            pltpu.VMEM((CHUNK, EMB_DIM), jnp.float32),
            pltpu.SemaphoreType.DMA,
            pltpu.SemaphoreType.DMA,
            pltpu.SemaphoreType.DMA,
            pltpu.SemaphoreType.DMA,
        ],
        compiler_params=pltpu.CompilerParams(use_tc_tiling_on_sc=False),
    )
    def lookup(idx_hbm, table_hbm, out_hbm, idx_v, buf0, buf1, sg0, sg1, sw0, sw1):
        wid = lax.axis_index("s") * NUM_CORES + lax.axis_index("c")
        pltpu.sync_copy(idx_hbm.at[wid], idx_v)
        base = wid * chunks_per_worker * CHUNK

        bufs = [buf0, buf1]
        sg = [sg0, sg1]
        sw = [sw0, sw1]
        gathers = [None, None]
        writebacks = [None, None]
        for j in range(chunks_per_worker):
            b = j % 2
            if writebacks[b] is not None:
                writebacks[b].wait()
            gathers[b] = pltpu.async_copy(table_hbm.at[idx_v.at[j]], bufs[b], sg[b])
            if j >= 1:
                pb = (j - 1) % 2
                gathers[pb].wait()
                writebacks[pb] = pltpu.async_copy(
                    bufs[pb], out_hbm.at[pl.ds(base + (j - 1) * CHUNK, CHUNK)], sw[pb]
                )
        last = (chunks_per_worker - 1) % 2
        gathers[last].wait()
        writebacks[last] = pltpu.async_copy(
            bufs[last],
            out_hbm.at[pl.ds(base + (chunks_per_worker - 1) * CHUNK, CHUNK)],
            sw[last],
        )
        writebacks[1 - last].wait()
        writebacks[last].wait()

    return lookup


def kernel(x, table):
    batch, hist = x.shape
    half = hist // 2
    halves = []
    for xh in (x[:, :half], x[:, half:]):
        total = batch * half
        chunks_per_worker = total // (NUM_WORKERS * CHUNK)
        idx3d = xh.reshape(NUM_WORKERS, chunks_per_worker, CHUNK)
        out = _make_lookup(total)(idx3d, table)
        halves.append(out.reshape(batch, half, EMB_DIM))
    return jnp.concatenate(halves, axis=1)

# --- scband reference (transcript-rebuilt; emitter-appended) ---
"""Pipeline reference for scband-embedding-7344394076700 (READ-ONLY COPY).

The authoritative reference and input builder live on the scoring server;
editing this copy changes nothing except your own understanding.
"""

import jax, jax.numpy as jnp
import numpy as np

VOCAB = 1000000
EMB_DIM = 64
BATCH = 4096
HIST = 50

def setup_inputs(seed: int = 0) -> dict:
    key = jax.random.key(seed)
    k_idx, k_tab = jax.random.split(key)
    x = jax.random.randint(k_idx, (BATCH, HIST), 0, VOCAB, dtype=jnp.int64 if jax.config.jax_enable_x64 else jnp.int32).astype(jnp.int32)
    table = jax.random.normal(k_tab, (VOCAB, EMB_DIM), dtype=jnp.float32)
    return {"x": x, "table": table}

def reference(x, table):
    # nn.Embedding forward: gather rows of the embedding table
    out = jnp.take(table, x, axis=0)
    return out

if __name__ == "__main__":
    import jax
    _d = setup_inputs()
    print(jax.jit(kernel)(*tuple(_d.values())))

</pallas_src>

<mosaic_0001>
#map = affine_map<(d0, d1) -> (0, 0, 0)>
#map1 = affine_map<(d0, d1) -> (0, 0)>
module attributes {stable_mosaic.version = 14 : i64} {
  func.func @lookup(%arg0: i32, %arg1: i32, %arg2: memref<32x5x640xi32, #tpu.memory_space<hbm>>, %arg3: memref<1000000x64xf32, #tpu.memory_space<hbm>>, %arg4: memref<102400x64xf32, #tpu.memory_space<hbm>>, %arg5: memref<5x640xi32, #tpu.memory_space<vmem>>, %arg6: memref<640x64xf32, #tpu.memory_space<vmem>>, %arg7: memref<640x64xf32, #tpu.memory_space<vmem>>, %arg8: memref<!tpu.dma_semaphore, #tpu.memory_space<semaphore_mem>>, %arg9: memref<!tpu.dma_semaphore, #tpu.memory_space<semaphore_mem>>, %arg10: memref<!tpu.dma_semaphore, #tpu.memory_space<semaphore_mem>>, %arg11: memref<!tpu.dma_semaphore, #tpu.memory_space<semaphore_mem>>) attributes {dimension_semantics = [#tpu.dimension_semantics<core_parallel>, #tpu.dimension_semantics<subcore_parallel>], iteration_bounds = array<i64: 2, 16>, scalar_prefetch = 0 : i64, scratch_operands = 7 : i64, tpu.core_type = #tpu.core_type<sc_vector_subcore>, window_params = [{transform_indices = #map}, {transform_indices = #map1}, {transform_indices = #map1}]} {
    %mul3A = arith.constant 2 : i32
    %mul3A_0 = arith.muli %arg1, %mul3A : i32
    %add3A = arith.addi %mul3A_0, %arg0 : i32
    "tpu.region"() ({
      %run_scoped3A = tpu.sem_alloc : memref<!tpu.dma_semaphore, #tpu.memory_space<semaphore_mem>>
      %dma_start3A_123 = arith.constant 0 : i32
      %dma_start3A_124 = arith.constant 0 : i32
      %dma_start3A_125 = tpu.memref_slice %arg2[%add3A, %dma_start3A_123, %dma_start3A_124] : memref<32x5x640xi32, #tpu.memory_space<hbm>> -> memref<1x5x640xi32, #tpu.memory_space<hbm>>
      %dma_start3A_126 = tpu.memref_squeeze %dma_start3A_125 : memref<1x5x640xi32, #tpu.memory_space<hbm>> -> memref<5x640xi32, #tpu.memory_space<hbm>>
      %dma_start3A_127 = arith.constant 0 : i32
      %dma_start3A_128 = arith.constant 0 : i32
      %dma_start3A_129 = tpu.memref_slice %arg2[%add3A, %dma_start3A_127, %dma_start3A_128] : memref<32x5x640xi32, #tpu.memory_space<hbm>> -> memref<1x5x640xi32, #tpu.memory_space<hbm>>
      %dma_start3A_130 = tpu.memref_squeeze %dma_start3A_129 : memref<1x5x640xi32, #tpu.memory_space<hbm>> -> memref<5x640xi32, #tpu.memory_space<hbm>>
      tpu.enqueue_dma source(%dma_start3A_130 : memref<5x640xi32, #tpu.memory_space<hbm>>) target(%arg5 : memref<5x640xi32, #tpu.memory_space<vmem>>) target_semaphore(%run_scoped3A : memref<!tpu.dma_semaphore, #tpu.memory_space<semaphore_mem>>)
      %dma_wait3A_131 = arith.constant 0 : i32
      %dma_wait3A_132 = arith.constant 0 : i32
      %dma_wait3A_133 = tpu.memref_slice %arg2[%add3A, %dma_wait3A_131, %dma_wait3A_132] : memref<32x5x640xi32, #tpu.memory_space<hbm>> -> memref<1x5x640xi32, #tpu.memory_space<hbm>>
      %dma_wait3A_134 = tpu.memref_squeeze %dma_wait3A_133 : memref<1x5x640xi32, #tpu.memory_space<hbm>> -> memref<5x640xi32, #tpu.memory_space<hbm>>
      %dma_wait3A_135 = arith.constant 0 : i32
      %dma_wait3A_136 = arith.constant 0 : i32
      %dma_wait3A_137 = tpu.memref_slice %arg2[%add3A, %dma_wait3A_135, %dma_wait3A_136] : memref<32x5x640xi32, #tpu.memory_space<hbm>> -> memref<1x5x640xi32, #tpu.memory_space<hbm>>
      %dma_wait3A_138 = tpu.memref_squeeze %dma_wait3A_137 : memref<1x5x640xi32, #tpu.memory_space<hbm>> -> memref<5x640xi32, #tpu.memory_space<hbm>>
      tpu.wait_dma2 semaphore(%run_scoped3A : memref<!tpu.dma_semaphore, #tpu.memory_space<semaphore_mem>>) src(%dma_wait3A_138 : memref<5x640xi32, #tpu.memory_space<hbm>>) dst(%arg5 : memref<5x640xi32, #tpu.memory_space<vmem>>)
      tpu.yield
    }) : () -> ()
    %mul3A_1 = arith.constant 5 : i32
    %mul3A_2 = arith.muli %add3A, %mul3A_1 : i32
    %mul3A_3 = arith.constant 640 : i32
    %mul3A_4 = arith.muli %mul3A_2, %mul3A_3 : i32
    %dma_start3A = arith.constant 0 : i32
    %dma_start3A_5 = arith.constant 0 : i32
    %dma_start3A_6 = tpu.memref_slice %arg5[%dma_start3A, %dma_start3A_5] : memref<5x640xi32, #tpu.memory_space<vmem>> -> memref<1x640xi32, #tpu.memory_space<vmem>>
    %dma_start3A_7 = tpu.memref_squeeze %dma_start3A_6 : memref<1x640xi32, #tpu.memory_space<vmem>> -> memref<640xi32, #tpu.memory_space<vmem>>
    %dma_start3A_8 = arith.constant 0 : i32
    %dma_start3A_9 = arith.constant 0 : i32
    %dma_start3A_10 = tpu.memref_slice %arg3[%dma_start3A_8, %dma_start3A_9] : memref<1000000x64xf32, #tpu.memory_space<hbm>> -> memref<1000000x64xf32, #tpu.memory_space<hbm>>
    tpu.enqueue_indirect_dma source(%dma_start3A_10 : memref<1000000x64xf32, #tpu.memory_space<hbm>>) target(%arg6 : memref<640x64xf32, #tpu.memory_space<vmem>>) offsets(%dma_start3A_7 : memref<640xi32, #tpu.memory_space<vmem>>) semaphore(%arg8 : memref<!tpu.dma_semaphore, #tpu.memory_space<semaphore_mem>>)
    %dma_start3A_11 = arith.constant 1 : i32
    %dma_start3A_12 = arith.constant 0 : i32
    %dma_start3A_13 = tpu.memref_slice %arg5[%dma_start3A_11, %dma_start3A_12] : memref<5x640xi32, #tpu.memory_space<vmem>> -> memref<1x640xi32, #tpu.memory_space<vmem>>
    %dma_start3A_14 = tpu.memref_squeeze %dma_start3A_13 : memref<1x640xi32, #tpu.memory_space<vmem>> -> memref<640xi32, #tpu.memory_space<vmem>>
    %dma_start3A_15 = arith.constant 0 : i32
    %dma_start3A_16 = arith.constant 0 : i32
    %dma_start3A_17 = tpu.memref_slice %arg3[%dma_start3A_15, %dma_start3A_16] : memref<1000000x64xf32, #tpu.memory_space<hbm>> -> memref<1000000x64xf32, #tpu.memory_space<hbm>>
    tpu.enqueue_indirect_dma source(%dma_start3A_17 : memref<1000000x64xf32, #tpu.memory_space<hbm>>) target(%arg7 : memref<640x64xf32, #tpu.memory_space<vmem>>) offsets(%dma_start3A_14 : memref<640xi32, #tpu.memory_space<vmem>>) semaphore(%arg9 : memref<!tpu.dma_semaphore, #tpu.memory_space<semaphore_mem>>)
    %dma_wait3A = arith.constant 0 : i32
    %dma_wait3A_18 = arith.constant 0 : i32
    %dma_wait3A_19 = tpu.memref_slice %arg5[%dma_wait3A, %dma_wait3A_18] : memref<5x640xi32, #tpu.memory_space<vmem>> -> memref<1x640xi32, #tpu.memory_space<vmem>>
    %dma_wait3A_20 = tpu.memref_squeeze %dma_wait3A_19 : memref<1x640xi32, #tpu.memory_space<vmem>> -> memref<640xi32, #tpu.memory_space<vmem>>
    %dma_wait3A_21 = arith.constant 0 : i32
    %dma_wait3A_22 = arith.constant 0 : i32
    %dma_wait3A_23 = tpu.memref_slice %arg3[%dma_wait3A_21, %dma_wait3A_22] : memref<1000000x64xf32, #tpu.memory_space<hbm>> -> memref<1000000x64xf32, #tpu.memory_space<hbm>>
    tpu.wait_indirect_dma semaphore(%arg8 : memref<!tpu.dma_semaphore, #tpu.memory_space<semaphore_mem>>) src(%dma_wait3A_23 : memref<1000000x64xf32, #tpu.memory_space<hbm>>) dst(%arg6 : memref<640x64xf32, #tpu.memory_space<vmem>>)
    %add3A_24 = arith.constant 0 : i32
    %add3A_25 = arith.addi %mul3A_4, %add3A_24 : i32
    %dma_start3A_26 = arith.constant 0 : i32
    %dma_start3A_27 = tpu.memref_slice %arg4[%add3A_25, %dma_start3A_26] : memref<102400x64xf32, #tpu.memory_space<hbm>> -> memref<640x64xf32, #tpu.memory_space<hbm>>
    %dma_start3A_28 = arith.constant 0 : i32
    %dma_start3A_29 = tpu.memref_slice %arg4[%add3A_25, %dma_start3A_28] : memref<102400x64xf32, #tpu.memory_space<hbm>> -> memref<640x64xf32, #tpu.memory_space<hbm>>
    tpu.enqueue_dma source(%arg6 : memref<640x64xf32, #tpu.memory_space<vmem>>) target(%dma_start3A_29 : memref<640x64xf32, #tpu.memory_space<hbm>>) target_semaphore(%arg10 : memref<!tpu.dma_semaphore, #tpu.memory_space<semaphore_mem>>)
    %dma_wait3A_30 = arith.constant 0 : i32
    %dma_wait3A_31 = tpu.memref_slice %arg4[%add3A_25, %dma_wait3A_30] : memref<102400x64xf32, #tpu.memory_space<hbm>> -> memref<640x64xf32, #tpu.memory_space<hbm>>
    %dma_wait3A_32 = arith.constant 0 : i32
    %dma_wait3A_33 = tpu.memref_slice %arg4[%add3A_25, %dma_wait3A_32] : memref<102400x64xf32, #tpu.memory_space<hbm>> -> memref<640x64xf32, #tpu.memory_space<hbm>>
    tpu.wait_dma2 semaphore(%arg10 : memref<!tpu.dma_semaphore, #tpu.memory_space<semaphore_mem>>) src(%arg6 : memref<640x64xf32, #tpu.memory_space<vmem>>) dst(%dma_wait3A_33 : memref<640x64xf32, #tpu.memory_space<hbm>>)
    %dma_start3A_34 = arith.constant 2 : i32
    %dma_start3A_35 = arith.constant 0 : i32
    %dma_start3A_36 = tpu.memref_slice %arg5[%dma_start3A_34, %dma_start3A_35] : memref<5x640xi32, #tpu.memory_space<vmem>> -> memref<1x640xi32, #tpu.memory_space<vmem>>
    %dma_start3A_37 = tpu.memref_squeeze %dma_start3A_36 : memref<1x640xi32, #tpu.memory_space<vmem>> -> memref<640xi32, #tpu.memory_space<vmem>>
    %dma_start3A_38 = arith.constant 0 : i32
    %dma_start3A_39 = arith.constant 0 : i32
    %dma_start3A_40 = tpu.memref_slice %arg3[%dma_start3A_38, %dma_start3A_39] : memref<1000000x64xf32, #tpu.memory_space<hbm>> -> memref<1000000x64xf32, #tpu.memory_space<hbm>>
    tpu.enqueue_indirect_dma source(%dma_start3A_40 : memref<1000000x64xf32, #tpu.memory_space<hbm>>) target(%arg6 : memref<640x64xf32, #tpu.memory_space<vmem>>) offsets(%dma_start3A_37 : memref<640xi32, #tpu.memory_space<vmem>>) semaphore(%arg8 : memref<!tpu.dma_semaphore, #tpu.memory_space<semaphore_mem>>)
    %dma_wait3A_41 = arith.constant 1 : i32
    %dma_wait3A_42 = arith.constant 0 : i32
    %dma_wait3A_43 = tpu.memref_slice %arg5[%dma_wait3A_41, %dma_wait3A_42] : memref<5x640xi32, #tpu.memory_space<vmem>> -> memref<1x640xi32, #tpu.memory_space<vmem>>
    %dma_wait3A_44 = tpu.memref_squeeze %dma_wait3A_43 : memref<1x640xi32, #tpu.memory_space<vmem>> -> memref<640xi32, #tpu.memory_space<vmem>>
    %dma_wait3A_45 = arith.constant 0 : i32
    %dma_wait3A_46 = arith.constant 0 : i32
    %dma_wait3A_47 = tpu.memref_slice %arg3[%dma_wait3A_45, %dma_wait3A_46] : memref<1000000x64xf32, #tpu.memory_space<hbm>> -> memref<1000000x64xf32, #tpu.memory_space<hbm>>
    tpu.wait_indirect_dma semaphore(%arg9 : memref<!tpu.dma_semaphore, #tpu.memory_space<semaphore_mem>>) src(%dma_wait3A_47 : memref<1000000x64xf32, #tpu.memory_space<hbm>>) dst(%arg7 : memref<640x64xf32, #tpu.memory_space<vmem>>)
    %add3A_48 = arith.constant 640 : i32
    %add3A_49 = arith.addi %mul3A_4, %add3A_48 : i32
    %dma_start3A_50 = arith.constant 0 : i32
    %dma_start3A_51 = tpu.memref_slice %arg4[%add3A_49, %dma_start3A_50] : memref<102400x64xf32, #tpu.memory_space<hbm>> -> memref<640x64xf32, #tpu.memory_space<hbm>>
    %dma_start3A_52 = arith.constant 0 : i32
    %dma_start3A_53 = tpu.memref_slice %arg4[%add3A_49, %dma_start3A_52] : memref<102400x64xf32, #tpu.memory_space<hbm>> -> memref<640x64xf32, #tpu.memory_space<hbm>>
    tpu.enqueue_dma source(%arg7 : memref<640x64xf32, #tpu.memory_space<vmem>>) target(%dma_start3A_53 : memref<640x64xf32, #tpu.memory_space<hbm>>) target_semaphore(%arg11 : memref<!tpu.dma_semaphore, #tpu.memory_space<semaphore_mem>>)
    %dma_wait3A_54 = arith.constant 0 : i32
    %dma_wait3A_55 = tpu.memref_slice %arg4[%add3A_49, %dma_wait3A_54] : memref<102400x64xf32, #tpu.memory_space<hbm>> -> memref<640x64xf32, #tpu.memory_space<hbm>>
    %dma_wait3A_56 = arith.constant 0 : i32
    %dma_wait3A_57 = tpu.memref_slice %arg4[%add3A_49, %dma_wait3A_56] : memref<102400x64xf32, #tpu.memory_space<hbm>> -> memref<640x64xf32, #tpu.memory_space<hbm>>
    tpu.wait_dma2 semaphore(%arg11 : memref<!tpu.dma_semaphore, #tpu.memory_space<semaphore_mem>>) src(%arg7 : memref<640x64xf32, #tpu.memory_space<vmem>>) dst(%dma_wait3A_57 : memref<640x64xf32, #tpu.memory_space<hbm>>)
    %dma_start3A_58 = arith.constant 3 : i32
    %dma_start3A_59 = arith.constant 0 : i32
    %dma_start3A_60 = tpu.memref_slice %arg5[%dma_start3A_58, %dma_start3A_59] : memref<5x640xi32, #tpu.memory_space<vmem>> -> memref<1x640xi32, #tpu.memory_space<vmem>>
    %dma_start3A_61 = tpu.memref_squeeze %dma_start3A_60 : memref<1x640xi32, #tpu.memory_space<vmem>> -> memref<640xi32, #tpu.memory_space<vmem>>
    %dma_start3A_62 = arith.constant 0 : i32
    %dma_start3A_63 = arith.constant 0 : i32
    %dma_start3A_64 = tpu.memref_slice %arg3[%dma_start3A_62, %dma_start3A_63] : memref<1000000x64xf32, #tpu.memory_space<hbm>> -> memref<1000000x64xf32, #tpu.memory_space<hbm>>
    tpu.enqueue_indirect_dma source(%dma_start3A_64 : memref<1000000x64xf32, #tpu.memory_space<hbm>>) target(%arg7 : memref<640x64xf32, #tpu.memory_space<vmem>>) offsets(%dma_start3A_61 : memref<640xi32, #tpu.memory_space<vmem>>) semaphore(%arg9 : memref<!tpu.dma_semaphore, #tpu.memory_space<semaphore_mem>>)
    %dma_wait3A_65 = arith.constant 2 : i32
    %dma_wait3A_66 = arith.constant 0 : i32
    %dma_wait3A_67 = tpu.memref_slice %arg5[%dma_wait3A_65, %dma_wait3A_66] : memref<5x640xi32, #tpu.memory_space<vmem>> -> memref<1x640xi32, #tpu.memory_space<vmem>>
    %dma_wait3A_68 = tpu.memref_squeeze %dma_wait3A_67 : memref<1x640xi32, #tpu.memory_space<vmem>> -> memref<640xi32, #tpu.memory_space<vmem>>
    %dma_wait3A_69 = arith.constant 0 : i32
    %dma_wait3A_70 = arith.constant 0 : i32
    %dma_wait3A_71 = tpu.memref_slice %arg3[%dma_wait3A_69, %dma_wait3A_70] : memref<1000000x64xf32, #tpu.memory_space<hbm>> -> memref<1000000x64xf32, #tpu.memory_space<hbm>>
    tpu.wait_indirect_dma semaphore(%arg8 : memref<!tpu.dma_semaphore, #tpu.memory_space<semaphore_mem>>) src(%dma_wait3A_71 : memref<1000000x64xf32, #tpu.memory_space<hbm>>) dst(%arg6 : memref<640x64xf32, #tpu.memory_space<vmem>>)
    %add3A_72 = arith.constant 1280 : i32
    %add3A_73 = arith.addi %mul3A_4, %add3A_72 : i32
    %dma_start3A_74 = arith.constant 0 : i32
    %dma_start3A_75 = tpu.memref_slice %arg4[%add3A_73, %dma_start3A_74] : memref<102400x64xf32, #tpu.memory_space<hbm>> -> memref<640x64xf32, #tpu.memory_space<hbm>>
    %dma_start3A_76 = arith.constant 0 : i32
    %dma_start3A_77 = tpu.memref_slice %arg4[%add3A_73, %dma_start3A_76] : memref<102400x64xf32, #tpu.memory_space<hbm>> -> memref<640x64xf32, #tpu.memory_space<hbm>>
    tpu.enqueue_dma source(%arg6 : memref<640x64xf32, #tpu.memory_space<vmem>>) target(%dma_start3A_77 : memref<640x64xf32, #tpu.memory_space<hbm>>) target_semaphore(%arg10 : memref<!tpu.dma_semaphore, #tpu.memory_space<semaphore_mem>>)
    %dma_wait3A_78 = arith.constant 0 : i32
    %dma_wait3A_79 = tpu.memref_slice %arg4[%add3A_73, %dma_wait3A_78] : memref<102400x64xf32, #tpu.memory_space<hbm>> -> memref<640x64xf32, #tpu.memory_space<hbm>>
    %dma_wait3A_80 = arith.constant 0 : i32
    %dma_wait3A_81 = tpu.memref_slice %arg4[%add3A_73, %dma_wait3A_80] : memref<102400x64xf32, #tpu.memory_space<hbm>> -> memref<640x64xf32, #tpu.memory_space<hbm>>
    tpu.wait_dma2 semaphore(%arg10 : memref<!tpu.dma_semaphore, #tpu.memory_space<semaphore_mem>>) src(%arg6 : memref<640x64xf32, #tpu.memory_space<vmem>>) dst(%dma_wait3A_81 : memref<640x64xf32, #tpu.memory_space<hbm>>)
    %dma_start3A_82 = arith.constant 4 : i32
    %dma_start3A_83 = arith.constant 0 : i32
    %dma_start3A_84 = tpu.memref_slice %arg5[%dma_start3A_82, %dma_start3A_83] : memref<5x640xi32, #tpu.memory_space<vmem>> -> memref<1x640xi32, #tpu.memory_space<vmem>>
    %dma_start3A_85 = tpu.memref_squeeze %dma_start3A_84 : memref<1x640xi32, #tpu.memory_space<vmem>> -> memref<640xi32, #tpu.memory_space<vmem>>
    %dma_start3A_86 = arith.constant 0 : i32
    %dma_start3A_87 = arith.constant 0 : i32
    %dma_start3A_88 = tpu.memref_slice %arg3[%dma_start3A_86, %dma_start3A_87] : memref<1000000x64xf32, #tpu.memory_space<hbm>> -> memref<1000000x64xf32, #tpu.memory_space<hbm>>
    tpu.enqueue_indirect_dma source(%dma_start3A_88 : memref<1000000x64xf32, #tpu.memory_space<hbm>>) target(%arg6 : memref<640x64xf32, #tpu.memory_space<vmem>>) offsets(%dma_start3A_85 : memref<640xi32, #tpu.memory_space<vmem>>) semaphore(%arg8 : memref<!tpu.dma_semaphore, #tpu.memory_space<semaphore_mem>>)
    %dma_wait3A_89 = arith.constant 3 : i32
    %dma_wait3A_90 = arith.constant 0 : i32
    %dma_wait3A_91 = tpu.memref_slice %arg5[%dma_wait3A_89, %dma_wait3A_90] : memref<5x640xi32, #tpu.memory_space<vmem>> -> memref<1x640xi32, #tpu.memory_space<vmem>>
    %dma_wait3A_92 = tpu.memref_squeeze %dma_wait3A_91 : memref<1x640xi32, #tpu.memory_space<vmem>> -> memref<640xi32, #tpu.memory_space<vmem>>
    %dma_wait3A_93 = arith.constant 0 : i32
    %dma_wait3A_94 = arith.constant 0 : i32
    %dma_wait3A_95 = tpu.memref_slice %arg3[%dma_wait3A_93, %dma_wait3A_94] : memref<1000000x64xf32, #tpu.memory_space<hbm>> -> memref<1000000x64xf32, #tpu.memory_space<hbm>>
    tpu.wait_indirect_dma semaphore(%arg9 : memref<!tpu.dma_semaphore, #tpu.memory_space<semaphore_mem>>) src(%dma_wait3A_95 : memref<1000000x64xf32, #tpu.memory_space<hbm>>) dst(%arg7 : memref<640x64xf32, #tpu.memory_space<vmem>>)
    %add3A_96 = arith.constant 1920 : i32
    %add3A_97 = arith.addi %mul3A_4, %add3A_96 : i32
    %dma_start3A_98 = arith.constant 0 : i32
    %dma_start3A_99 = tpu.memref_slice %arg4[%add3A_97, %dma_start3A_98] : memref<102400x64xf32, #tpu.memory_space<hbm>> -> memref<640x64xf32, #tpu.memory_space<hbm>>
    %dma_start3A_100 = arith.constant 0 : i32
    %dma_start3A_101 = tpu.memref_slice %arg4[%add3A_97, %dma_start3A_100] : memref<102400x64xf32, #tpu.memory_space<hbm>> -> memref<640x64xf32, #tpu.memory_space<hbm>>
    tpu.enqueue_dma source(%arg7 : memref<640x64xf32, #tpu.memory_space<vmem>>) target(%dma_start3A_101 : memref<640x64xf32, #tpu.memory_space<hbm>>) target_semaphore(%arg11 : memref<!tpu.dma_semaphore, #tpu.memory_space<semaphore_mem>>)
    %dma_wait3A_102 = arith.constant 4 : i32
    %dma_wait3A_103 = arith.constant 0 : i32
    %dma_wait3A_104 = tpu.memref_slice %arg5[%dma_wait3A_102, %dma_wait3A_103] : memref<5x640xi32, #tpu.memory_space<vmem>> -> memref<1x640xi32, #tpu.memory_space<vmem>>
    %dma_wait3A_105 = tpu.memref_squeeze %dma_wait3A_104 : memref<1x640xi32, #tpu.memory_space<vmem>> -> memref<640xi32, #tpu.memory_space<vmem>>
    %dma_wait3A_106 = arith.constant 0 : i32
    %dma_wait3A_107 = arith.constant 0 : i32
    %dma_wait3A_108 = tpu.memref_slice %arg3[%dma_wait3A_106, %dma_wait3A_107] : memref<1000000x64xf32, #tpu.memory_space<hbm>> -> memref<1000000x64xf32, #tpu.memory_space<hbm>>
    tpu.wait_indirect_dma semaphore(%arg8 : memref<!tpu.dma_semaphore, #tpu.memory_space<semaphore_mem>>) src(%dma_wait3A_108 : memref<1000000x64xf32, #tpu.memory_space<hbm>>) dst(%arg6 : memref<640x64xf32, #tpu.memory_space<vmem>>)
    %add3A_109 = arith.constant 2560 : i32
    %add3A_110 = arith.addi %mul3A_4, %add3A_109 : i32
    %dma_start3A_111 = arith.constant 0 : i32
    %dma_start3A_112 = tpu.memref_slice %arg4[%add3A_110, %dma_start3A_111] : memref<102400x64xf32, #tpu.memory_space<hbm>> -> memref<640x64xf32, #tpu.memory_space<hbm>>
    %dma_start3A_113 = arith.constant 0 : i32
    %dma_start3A_114 = tpu.memref_slice %arg4[%add3A_110, %dma_start3A_113] : memref<102400x64xf32, #tpu.memory_space<hbm>> -> memref<640x64xf32, #tpu.memory_space<hbm>>
    tpu.enqueue_dma source(%arg6 : memref<640x64xf32, #tpu.memory_space<vmem>>) target(%dma_start3A_114 : memref<640x64xf32, #tpu.memory_space<hbm>>) target_semaphore(%arg10 : memref<!tpu.dma_semaphore, #tpu.memory_space<semaphore_mem>>)
    %dma_wait3A_115 = arith.constant 0 : i32
    %dma_wait3A_116 = tpu.memref_slice %arg4[%add3A_97, %dma_wait3A_115] : memref<102400x64xf32, #tpu.memory_space<hbm>> -> memref<640x64xf32, #tpu.memory_space<hbm>>
    %dma_wait3A_117 = arith.constant 0 : i32
    %dma_wait3A_118 = tpu.memref_slice %arg4[%add3A_97, %dma_wait3A_117] : memref<102400x64xf32, #tpu.memory_space<hbm>> -> memref<640x64xf32, #tpu.memory_space<hbm>>
    tpu.wait_dma2 semaphore(%arg11 : memref<!tpu.dma_semaphore, #tpu.memory_space<semaphore_mem>>) src(%arg7 : memref<640x64xf32, #tpu.memory_space<vmem>>) dst(%dma_wait3A_118 : memref<640x64xf32, #tpu.memory_space<hbm>>)
    %dma_wait3A_119 = arith.constant 0 : i32
    %dma_wait3A_120 = tpu.memref_slice %arg4[%add3A_110, %dma_wait3A_119] : memref<102400x64xf32, #tpu.memory_space<hbm>> -> memref<640x64xf32, #tpu.memory_space<hbm>>
    %dma_wait3A_121 = arith.constant 0 : i32
    %dma_wait3A_122 = tpu.memref_slice %arg4[%add3A_110, %dma_wait3A_121] : memref<102400x64xf32, #tpu.memory_space<hbm>> -> memref<640x64xf32, #tpu.memory_space<hbm>>
    tpu.wait_dma2 semaphore(%arg10 : memref<!tpu.dma_semaphore, #tpu.memory_space<semaphore_mem>>) src(%arg6 : memref<640x64xf32, #tpu.memory_space<vmem>>) dst(%dma_wait3A_122 : memref<640x64xf32, #tpu.memory_space<hbm>>)
    return
  }
}

#map = affine_map<(d0, d1) -> (0, 0, 0)>
#map1 = affine_map<(d0, d1) -> (0, 0)>
module attributes {stable_mosaic.version = 14 : i64} {
  func.func @lookup(%arg0: i32, %arg1: i32, %arg2: memref<32x5x640xi32, #tpu.memory_space<hbm>>, %arg3: memref<1000000x64xf32, #tpu.memory_space<hbm>>, %arg4: memref<102400x64xf32, #tpu.memory_space<hbm>>, %arg5: memref<5x640xi32, #tpu.memory_space<vmem>>, %arg6: memref<640x64xf32, #tpu.memory_space<vmem>>, %arg7: memref<640x64xf32, #tpu.memory_space<vmem>>, %arg8: memref<!tpu.dma_semaphore, #tpu.memory_space<semaphore_mem>>, %arg9: memref<!tpu.dma_semaphore, #tpu.memory_space<semaphore_mem>>, %arg10: memref<!tpu.dma_semaphore, #tpu.memory_space<semaphore_mem>>, %arg11: memref<!tpu.dma_semaphore, #tpu.memory_space<semaphore_mem>>) attributes {dimension_semantics = [#tpu.dimension_semantics<core_parallel>, #tpu.dimension_semantics<subcore_parallel>], iteration_bounds = array<i64: 2, 16>, scalar_prefetch = 0 : i64, scratch_operands = 7 : i64, tpu.core_type = #tpu.core_type<sc_vector_subcore>, window_params = [{transform_indices = #map}, {transform_indices = #map1}, {transform_indices = #map1}]} {
    %mul3A = arith.constant 2 : i32
    %mul3A_0 = arith.muli %arg1, %mul3A : i32
    %add3A = arith.addi %mul3A_0, %arg0 : i32
    "tpu.region"() ({
      %run_scoped3A = tpu.sem_alloc : memref<!tpu.dma_semaphore, #tpu.memory_space<semaphore_mem>>
      %dma_start3A_123 = arith.constant 0 : i32
      %dma_start3A_124 = arith.constant 0 : i32
      %dma_start3A_125 = tpu.memref_slice %arg2[%add3A, %dma_start3A_123, %dma_start3A_124] : memref<32x5x640xi32, #tpu.memory_space<hbm>> -> memref<1x5x640xi32, #tpu.memory_space<hbm>>
      %dma_start3A_126 = tpu.memref_squeeze %dma_start3A_125 : memref<1x5x640xi32, #tpu.memory_space<hbm>> -> memref<5x640xi32, #tpu.memory_space<hbm>>
      %dma_start3A_127 = arith.constant 0 : i32
      %dma_start3A_128 = arith.constant 0 : i32
      %dma_start3A_129 = tpu.memref_slice %arg2[%add3A, %dma_start3A_127, %dma_start3A_128] : memref<32x5x640xi32, #tpu.memory_space<hbm>> -> memref<1x5x640xi32, #tpu.memory_space<hbm>>
      %dma_start3A_130 = tpu.memref_squeeze %dma_start3A_129 : memref<1x5x640xi32, #tpu.memory_space<hbm>> -> memref<5x640xi32, #tpu.memory_space<hbm>>
      tpu.enqueue_dma source(%dma_start3A_130 : memref<5x640xi32, #tpu.memory_space<hbm>>) target(%arg5 : memref<5x640xi32, #tpu.memory_space<vmem>>) target_semaphore(%run_scoped3A : memref<!tpu.dma_semaphore, #tpu.memory_space<semaphore_mem>>)
      %dma_wait3A_131 = arith.constant 0 : i32
      %dma_wait3A_132 = arith.constant 0 : i32
      %dma_wait3A_133 = tpu.memref_slice %arg2[%add3A, %dma_wait3A_131, %dma_wait3A_132] : memref<32x5x640xi32, #tpu.memory_space<hbm>> -> memref<1x5x640xi32, #tpu.memory_space<hbm>>
      %dma_wait3A_134 = tpu.memref_squeeze %dma_wait3A_133 : memref<1x5x640xi32, #tpu.memory_space<hbm>> -> memref<5x640xi32, #tpu.memory_space<hbm>>
      %dma_wait3A_135 = arith.constant 0 : i32
      %dma_wait3A_136 = arith.constant 0 : i32
      %dma_wait3A_137 = tpu.memref_slice %arg2[%add3A, %dma_wait3A_135, %dma_wait3A_136] : memref<32x5x640xi32, #tpu.memory_space<hbm>> -> memref<1x5x640xi32, #tpu.memory_space<hbm>>
      %dma_wait3A_138 = tpu.memref_squeeze %dma_wait3A_137 : memref<1x5x640xi32, #tpu.memory_space<hbm>> -> memref<5x640xi32, #tpu.memory_space<hbm>>
      tpu.wait_dma2 semaphore(%run_scoped3A : memref<!tpu.dma_semaphore, #tpu.memory_space<semaphore_mem>>) src(%dma_wait3A_138 : memref<5x640xi32, #tpu.memory_space<hbm>>) dst(%arg5 : memref<5x640xi32, #tpu.memory_space<vmem>>)
      tpu.yield
    }) : () -> ()
    %mul3A_1 = arith.constant 5 : i32
    %mul3A_2 = arith.muli %add3A, %mul3A_1 : i32
    %mul3A_3 = arith.constant 640 : i32
    %mul3A_4 = arith.muli %mul3A_2, %mul3A_3 : i32
    %dma_start3A = arith.constant 0 : i32
    %dma_start3A_5 = arith.constant 0 : i32
    %dma_start3A_6 = tpu.memref_slice %arg5[%dma_start3A, %dma_start3A_5] : memref<5x640xi32, #tpu.memory_space<vmem>> -> memref<1x640xi32, #tpu.memory_space<vmem>>
    %dma_start3A_7 = tpu.memref_squeeze %dma_start3A_6 : memref<1x640xi32, #tpu.memory_space<vmem>> -> memref<640xi32, #tpu.memory_space<vmem>>
    %dma_start3A_8 = arith.constant 0 : i32
    %dma_start3A_9 = arith.constant 0 : i32
    %dma_start3A_10 = tpu.memref_slice %arg3[%dma_start3A_8, %dma_start3A_9] : memref<1000000x64xf32, #tpu.memory_space<hbm>> -> memref<1000000x64xf32, #tpu.memory_space<hbm>>
    tpu.enqueue_indirect_dma source(%dma_start3A_10 : memref<1000000x64xf32, #tpu.memory_space<hbm>>) target(%arg6 : memref<640x64xf32, #tpu.memory_space<vmem>>) offsets(%dma_start3A_7 : memref<640xi32, #tpu.memory_space<vmem>>) semaphore(%arg8 : memref<!tpu.dma_semaphore, #tpu.memory_space<semaphore_mem>>)
    %dma_start3A_11 = arith.constant 1 : i32
    %dma_start3A_12 = arith.constant 0 : i32
    %dma_start3A_13 = tpu.memref_slice %arg5[%dma_start3A_11, %dma_start3A_12] : memref<5x640xi32, #tpu.memory_space<vmem>> -> memref<1x640xi32, #tpu.memory_space<vmem>>
    %dma_start3A_14 = tpu.memref_squeeze %dma_start3A_13 : memref<1x640xi32, #tpu.memory_space<vmem>> -> memref<640xi32, #tpu.memory_space<vmem>>
    %dma_start3A_15 = arith.constant 0 : i32
    %dma_start3A_16 = arith.constant 0 : i32
    %dma_start3A_17 = tpu.memref_slice %arg3[%dma_start3A_15, %dma_start3A_16] : memref<1000000x64xf32, #tpu.memory_space<hbm>> -> memref<1000000x64xf32, #tpu.memory_space<hbm>>
    tpu.enqueue_indirect_dma source(%dma_start3A_17 : memref<1000000x64xf32, #tpu.memory_space<hbm>>) target(%arg7 : memref<640x64xf32, #tpu.memory_space<vmem>>) offsets(%dma_start3A_14 : memref<640xi32, #tpu.memory_space<vmem>>) semaphore(%arg9 : memref<!tpu.dma_semaphore, #tpu.memory_space<semaphore_mem>>)
    %dma_wait3A = arith.constant 0 : i32
    %dma_wait3A_18 = arith.constant 0 : i32
    %dma_wait3A_19 = tpu.memref_slice %arg5[%dma_wait3A, %dma_wait3A_18] : memref<5x640xi32, #tpu.memory_space<vmem>> -> memref<1x640xi32, #tpu.memory_space<vmem>>
    %dma_wait3A_20 = tpu.memref_squeeze %dma_wait3A_19 : memref<1x640xi32, #tpu.memory_space<vmem>> -> memref<640xi32, #tpu.memory_space<vmem>>
    %dma_wait3A_21 = arith.constant 0 : i32
    %dma_wait3A_22 = arith.constant 0 : i32
    %dma_wait3A_23 = tpu.memref_slice %arg3[%dma_wait3A_21, %dma_wait3A_22] : memref<1000000x64xf32, #tpu.memory_space<hbm>> -> memref<1000000x64xf32, #tpu.memory_space<hbm>>
    tpu.wait_indirect_dma semaphore(%arg8 : memref<!tpu.dma_semaphore, #tpu.memory_space<semaphore_mem>>) src(%dma_wait3A_23 : memref<1000000x64xf32, #tpu.memory_space<hbm>>) dst(%arg6 : memref<640x64xf32, #tpu.memory_space<vmem>>)
    %add3A_24 = arith.constant 0 : i32
    %add3A_25 = arith.addi %mul3A_4, %add3A_24 : i32
    %dma_start3A_26 = arith.constant 0 : i32
    %dma_start3A_27 = tpu.memref_slice %arg4[%add3A_25, %dma_start3A_26] : memref<102400x64xf32, #tpu.memory_space<hbm>> -> memref<640x64xf32, #tpu.memory_space<hbm>>
    %dma_start3A_28 = arith.constant 0 : i32
    %dma_start3A_29 = tpu.memref_slice %arg4[%add3A_25, %dma_start3A_28] : memref<102400x64xf32, #tpu.memory_space<hbm>> -> memref<640x64xf32, #tpu.memory_space<hbm>>
    tpu.enqueue_dma source(%arg6 : memref<640x64xf32, #tpu.memory_space<vmem>>) target(%dma_start3A_29 : memref<640x64xf32, #tpu.memory_space<hbm>>) target_semaphore(%arg10 : memref<!tpu.dma_semaphore, #tpu.memory_space<semaphore_mem>>)
    %dma_wait3A_30 = arith.constant 0 : i32
    %dma_wait3A_31 = tpu.memref_slice %arg4[%add3A_25, %dma_wait3A_30] : memref<102400x64xf32, #tpu.memory_space<hbm>> -> memref<640x64xf32, #tpu.memory_space<hbm>>
    %dma_wait3A_32 = arith.constant 0 : i32
    %dma_wait3A_33 = tpu.memref_slice %arg4[%add3A_25, %dma_wait3A_32] : memref<102400x64xf32, #tpu.memory_space<hbm>> -> memref<640x64xf32, #tpu.memory_space<hbm>>
    tpu.wait_dma2 semaphore(%arg10 : memref<!tpu.dma_semaphore, #tpu.memory_space<semaphore_mem>>) src(%arg6 : memref<640x64xf32, #tpu.memory_space<vmem>>) dst(%dma_wait3A_33 : memref<640x64xf32, #tpu.memory_space<hbm>>)
    %dma_start3A_34 = arith.constant 2 : i32
    %dma_start3A_35 = arith.constant 0 : i32
    %dma_start3A_36 = tpu.memref_slice %arg5[%dma_start3A_34, %dma_start3A_35] : memref<5x640xi32, #tpu.memory_space<vmem>> -> memref<1x640xi32, #tpu.memory_space<vmem>>
    %dma_start3A_37 = tpu.memref_squeeze %dma_start3A_36 : memref<1x640xi32, #tpu.memory_space<vmem>> -> memref<640xi32, #tpu.memory_space<vmem>>
    %dma_start3A_38 = arith.constant 0 : i32
    %dma_start3A_39 = arith.constant 0 : i32
    %dma_start3A_40 = tpu.memref_slice %arg3[%dma_start3A_38, %dma_start3A_39] : memref<1000000x64xf32, #tpu.memory_space<hbm>> -> memref<1000000x64xf32, #tpu.memory_space<hbm>>
    tpu.enqueue_indirect_dma source(%dma_start3A_40 : memref<1000000x64xf32, #tpu.memory_space<hbm>>) target(%arg6 : memref<640x64xf32, #tpu.memory_space<vmem>>) offsets(%dma_start3A_37 : memref<640xi32, #tpu.memory_space<vmem>>) semaphore(%arg8 : memref<!tpu.dma_semaphore, #tpu.memory_space<semaphore_mem>>)
    %dma_wait3A_41 = arith.constant 1 : i32
    %dma_wait3A_42 = arith.constant 0 : i32
    %dma_wait3A_43 = tpu.memref_slice %arg5[%dma_wait3A_41, %dma_wait3A_42] : memref<5x640xi32, #tpu.memory_space<vmem>> -> memref<1x640xi32, #tpu.memory_space<vmem>>
    %dma_wait3A_44 = tpu.memref_squeeze %dma_wait3A_43 : memref<1x640xi32, #tpu.memory_space<vmem>> -> memref<640xi32, #tpu.memory_space<vmem>>
    %dma_wait3A_45 = arith.constant 0 : i32
    %dma_wait3A_46 = arith.constant 0 : i32
    %dma_wait3A_47 = tpu.memref_slice %arg3[%dma_wait3A_45, %dma_wait3A_46] : memref<1000000x64xf32, #tpu.memory_space<hbm>> -> memref<1000000x64xf32, #tpu.memory_space<hbm>>
    tpu.wait_indirect_dma semaphore(%arg9 : memref<!tpu.dma_semaphore, #tpu.memory_space<semaphore_mem>>) src(%dma_wait3A_47 : memref<1000000x64xf32, #tpu.memory_space<hbm>>) dst(%arg7 : memref<640x64xf32, #tpu.memory_space<vmem>>)
    %add3A_48 = arith.constant 640 : i32
    %add3A_49 = arith.addi %mul3A_4, %add3A_48 : i32
    %dma_start3A_50 = arith.constant 0 : i32
    %dma_start3A_51 = tpu.memref_slice %arg4[%add3A_49, %dma_start3A_50] : memref<102400x64xf32, #tpu.memory_space<hbm>> -> memref<640x64xf32, #tpu.memory_space<hbm>>
    %dma_start3A_52 = arith.constant 0 : i32
    %dma_start3A_53 = tpu.memref_slice %arg4[%add3A_49, %dma_start3A_52] : memref<102400x64xf32, #tpu.memory_space<hbm>> -> memref<640x64xf32, #tpu.memory_space<hbm>>
    tpu.enqueue_dma source(%arg7 : memref<640x64xf32, #tpu.memory_space<vmem>>) target(%dma_start3A_53 : memref<640x64xf32, #tpu.memory_space<hbm>>) target_semaphore(%arg11 : memref<!tpu.dma_semaphore, #tpu.memory_space<semaphore_mem>>)
    %dma_wait3A_54 = arith.constant 0 : i32
    %dma_wait3A_55 = tpu.memref_slice %arg4[%add3A_49, %dma_wait3A_54] : memref<102400x64xf32, #tpu.memory_space<hbm>> -> memref<640x64xf32, #tpu.memory_space<hbm>>
    %dma_wait3A_56 = arith.constant 0 : i32
    %dma_wait3A_57 = tpu.memref_slice %arg4[%add3A_49, %dma_wait3A_56] : memref<102400x64xf32, #tpu.memory_space<hbm>> -> memref<640x64xf32, #tpu.memory_space<hbm>>
    tpu.wait_dma2 semaphore(%arg11 : memref<!tpu.dma_semaphore, #tpu.memory_space<semaphore_mem>>) src(%arg7 : memref<640x64xf32, #tpu.memory_space<vmem>>) dst(%dma_wait3A_57 : memref<640x64xf32, #tpu.memory_space<hbm>>)
    %dma_start3A_58 = arith.constant 3 : i32
    %dma_start3A_59 = arith.constant 0 : i32
    %dma_start3A_60 = tpu.memref_slice %arg5[%dma_start3A_58, %dma_start3A_59] : memref<5x640xi32, #tpu.memory_space<vmem>> -> memref<1x640xi32, #tpu.memory_space<vmem>>
    %dma_start3A_61 = tpu.memref_squeeze %dma_start3A_60 : memref<1x640xi32, #tpu.memory_space<vmem>> -> memref<640xi32, #tpu.memory_space<vmem>>
    %dma_start3A_62 = arith.constant 0 : i32
    %dma_start3A_63 = arith.constant 0 : i32
    %dma_start3A_64 = tpu.memref_slice %arg3[%dma_start3A_62, %dma_start3A_63] : memref<1000000x64xf32, #tpu.memory_space<hbm>> -> memref<1000000x64xf32, #tpu.memory_space<hbm>>
    tpu.enqueue_indirect_dma source(%dma_start3A_64 : memref<1000000x64xf32, #tpu.memory_space<hbm>>) target(%arg7 : memref<640x64xf32, #tpu.memory_space<vmem>>) offsets(%dma_start3A_61 : memref<640xi32, #tpu.memory_space<vmem>>) semaphore(%arg9 : memref<!tpu.dma_semaphore, #tpu.memory_space<semaphore_mem>>)
    %dma_wait3A_65 = arith.constant 2 : i32
    %dma_wait3A_66 = arith.constant 0 : i32
    %dma_wait3A_67 = tpu.memref_slice %arg5[%dma_wait3A_65, %dma_wait3A_66] : memref<5x640xi32, #tpu.memory_space<vmem>> -> memref<1x640xi32, #tpu.memory_space<vmem>>
    %dma_wait3A_68 = tpu.memref_squeeze %dma_wait3A_67 : memref<1x640xi32, #tpu.memory_space<vmem>> -> memref<640xi32, #tpu.memory_space<vmem>>
    %dma_wait3A_69 = arith.constant 0 : i32
    %dma_wait3A_70 = arith.constant 0 : i32
    %dma_wait3A_71 = tpu.memref_slice %arg3[%dma_wait3A_69, %dma_wait3A_70] : memref<1000000x64xf32, #tpu.memory_space<hbm>> -> memref<1000000x64xf32, #tpu.memory_space<hbm>>
    tpu.wait_indirect_dma semaphore(%arg8 : memref<!tpu.dma_semaphore, #tpu.memory_space<semaphore_mem>>) src(%dma_wait3A_71 : memref<1000000x64xf32, #tpu.memory_space<hbm>>) dst(%arg6 : memref<640x64xf32, #tpu.memory_space<vmem>>)
    %add3A_72 = arith.constant 1280 : i32
    %add3A_73 = arith.addi %mul3A_4, %add3A_72 : i32
    %dma_start3A_74 = arith.constant 0 : i32
    %dma_start3A_75 = tpu.memref_slice %arg4[%add3A_73, %dma_start3A_74] : memref<102400x64xf32, #tpu.memory_space<hbm>> -> memref<640x64xf32, #tpu.memory_space<hbm>>
    %dma_start3A_76 = arith.constant 0 : i32
    %dma_start3A_77 = tpu.memref_slice %arg4[%add3A_73, %dma_start3A_76] : memref<102400x64xf32, #tpu.memory_space<hbm>> -> memref<640x64xf32, #tpu.memory_space<hbm>>
    tpu.enqueue_dma source(%arg6 : memref<640x64xf32, #tpu.memory_space<vmem>>) target(%dma_start3A_77 : memref<640x64xf32, #tpu.memory_space<hbm>>) target_semaphore(%arg10 : memref<!tpu.dma_semaphore, #tpu.memory_space<semaphore_mem>>)
    %dma_wait3A_78 = arith.constant 0 : i32
    %dma_wait3A_79 = tpu.memref_slice %arg4[%add3A_73, %dma_wait3A_78] : memref<102400x64xf32, #tpu.memory_space<hbm>> -> memref<640x64xf32, #tpu.memory_space<hbm>>
    %dma_wait3A_80 = arith.constant 0 : i32
    %dma_wait3A_81 = tpu.memref_slice %arg4[%add3A_73, %dma_wait3A_80] : memref<102400x64xf32, #tpu.memory_space<hbm>> -> memref<640x64xf32, #tpu.memory_space<hbm>>
    tpu.wait_dma2 semaphore(%arg10 : memref<!tpu.dma_semaphore, #tpu.memory_space<semaphore_mem>>) src(%arg6 : memref<640x64xf32, #tpu.memory_space<vmem>>) dst(%dma_wait3A_81 : memref<640x64xf32, #tpu.memory_space<hbm>>)
    %dma_start3A_82 = arith.constant 4 : i32
    %dma_start3A_83 = arith.constant 0 : i32
    %dma_start3A_84 = tpu.memref_slice %arg5[%dma_start3A_82, %dma_start3A_83] : memref<5x640xi32, #tpu.memory_space<vmem>> -> memref<1x640xi32, #tpu.memory_space<vmem>>
    %dma_start3A_85 = tpu.memref_squeeze %dma_start3A_84 : memref<1x640xi32, #tpu.memory_space<vmem>> -> memref<640xi32, #tpu.memory_space<vmem>>
    %dma_start3A_86 = arith.constant 0 : i32
    %dma_start3A_87 = arith.constant 0 : i32
    %dma_start3A_88 = tpu.memref_slice %arg3[%dma_start3A_86, %dma_start3A_87] : memref<1000000x64xf32, #tpu.memory_space<hbm>> -> memref<1000000x64xf32, #tpu.memory_space<hbm>>
    tpu.enqueue_indirect_dma source(%dma_start3A_88 : memref<1000000x64xf32, #tpu.memory_space<hbm>>) target(%arg6 : memref<640x64xf32, #tpu.memory_space<vmem>>) offsets(%dma_start3A_85 : memref<640xi32, #tpu.memory_space<vmem>>) semaphore(%arg8 : memref<!tpu.dma_semaphore, #tpu.memory_space<semaphore_mem>>)
    %dma_wait3A_89 = arith.constant 3 : i32
    %dma_wait3A_90 = arith.constant 0 : i32
    %dma_wait3A_91 = tpu.memref_slice %arg5[%dma_wait3A_89, %dma_wait3A_90] : memref<5x640xi32, #tpu.memory_space<vmem>> -> memref<1x640xi32, #tpu.memory_space<vmem>>
    %dma_wait3A_92 = tpu.memref_squeeze %dma_wait3A_91 : memref<1x640xi32, #tpu.memory_space<vmem>> -> memref<640xi32, #tpu.memory_space<vmem>>
    %dma_wait3A_93 = arith.constant 0 : i32
    %dma_wait3A_94 = arith.constant 0 : i32
    %dma_wait3A_95 = tpu.memref_slice %arg3[%dma_wait3A_93, %dma_wait3A_94] : memref<1000000x64xf32, #tpu.memory_space<hbm>> -> memref<1000000x64xf32, #tpu.memory_space<hbm>>
    tpu.wait_indirect_dma semaphore(%arg9 : memref<!tpu.dma_semaphore, #tpu.memory_space<semaphore_mem>>) src(%dma_wait3A_95 : memref<1000000x64xf32, #tpu.memory_space<hbm>>) dst(%arg7 : memref<640x64xf32, #tpu.memory_space<vmem>>)
    %add3A_96 = arith.constant 1920 : i32
    %add3A_97 = arith.addi %mul3A_4, %add3A_96 : i32
    %dma_start3A_98 = arith.constant 0 : i32
    %dma_start3A_99 = tpu.memref_slice %arg4[%add3A_97, %dma_start3A_98] : memref<102400x64xf32, #tpu.memory_space<hbm>> -> memref<640x64xf32, #tpu.memory_space<hbm>>
    %dma_start3A_100 = arith.constant 0 : i32
    %dma_start3A_101 = tpu.memref_slice %arg4[%add3A_97, %dma_start3A_100] : memref<102400x64xf32, #tpu.memory_space<hbm>> -> memref<640x64xf32, #tpu.memory_space<hbm>>
    tpu.enqueue_dma source(%arg7 : memref<640x64xf32, #tpu.memory_space<vmem>>) target(%dma_start3A_101 : memref<640x64xf32, #tpu.memory_space<hbm>>) target_semaphore(%arg11 : memref<!tpu.dma_semaphore, #tpu.memory_space<semaphore_mem>>)
    %dma_wait3A_102 = arith.constant 4 : i32
    %dma_wait3A_103 = arith.constant 0 : i32
    %dma_wait3A_104 = tpu.memref_slice %arg5[%dma_wait3A_102, %dma_wait3A_103] : memref<5x640xi32, #tpu.memory_space<vmem>> -> memref<1x640xi32, #tpu.memory_space<vmem>>
    %dma_wait3A_105 = tpu.memref_squeeze %dma_wait3A_104 : memref<1x640xi32, #tpu.memory_space<vmem>> -> memref<640xi32, #tpu.memory_space<vmem>>
    %dma_wait3A_106 = arith.constant 0 : i32
    %dma_wait3A_107 = arith.constant 0 : i32
    %dma_wait3A_108 = tpu.memref_slice %arg3[%dma_wait3A_106, %dma_wait3A_107] : memref<1000000x64xf32, #tpu.memory_space<hbm>> -> memref<1000000x64xf32, #tpu.memory_space<hbm>>
    tpu.wait_indirect_dma semaphore(%arg8 : memref<!tpu.dma_semaphore, #tpu.memory_space<semaphore_mem>>) src(%dma_wait3A_108 : memref<1000000x64xf32, #tpu.memory_space<hbm>>) dst(%arg6 : memref<640x64xf32, #tpu.memory_space<vmem>>)
    %add3A_109 = arith.constant 2560 : i32
    %add3A_110 = arith.addi %mul3A_4, %add3A_109 : i32
    %dma_start3A_111 = arith.constant 0 : i32
    %dma_start3A_112 = tpu.memref_slice %arg4[%add3A_110, %dma_start3A_111] : memref<102400x64xf32, #tpu.memory_space<hbm>> -> memref<640x64xf32, #tpu.memory_space<hbm>>
    %dma_start3A_113 = arith.constant 0 : i32
    %dma_start3A_114 = tpu.memref_slice %arg4[%add3A_110, %dma_start3A_113] : memref<102400x64xf32, #tpu.memory_space<hbm>> -> memref<640x64xf32, #tpu.memory_space<hbm>>
    tpu.enqueue_dma source(%arg6 : memref<640x64xf32, #tpu.memory_space<vmem>>) target(%dma_start3A_114 : memref<640x64xf32, #tpu.memory_space<hbm>>) target_semaphore(%arg10 : memref<!tpu.dma_semaphore, #tpu.memory_space<semaphore_mem>>)
    %dma_wait3A_115 = arith.constant 0 : i32
    %dma_wait3A_116 = tpu.memref_slice %arg4[%add3A_97, %dma_wait3A_115] : memref<102400x64xf32, #tpu.memory_space<hbm>> -> memref<640x64xf32, #tpu.memory_space<hbm>>
    %dma_wait3A_117 = arith.constant 0 : i32
    %dma_wait3A_118 = tpu.memref_slice %arg4[%add3A_97, %dma_wait3A_117] : memref<102400x64xf32, #tpu.memory_space<hbm>> -> memref<640x64xf32, #tpu.memory_space<hbm>>
    tpu.wait_dma2 semaphore(%arg11 : memref<!tpu.dma_semaphore, #tpu.memory_space<semaphore_mem>>) src(%arg7 : memref<640x64xf32, #tpu.memory_space<vmem>>) dst(%dma_wait3A_118 : memref<640x64xf32, #tpu.memory_space<hbm>>)
    %dma_wait3A_119 = arith.constant 0 : i32
    %dma_wait3A_120 = tpu.memref_slice %arg4[%add3A_110, %dma_wait3A_119] : memref<102400x64xf32, #tpu.memory_space<hbm>> -> memref<640x64xf32, #tpu.memory_space<hbm>>
    %dma_wait3A_121 = arith.constant 0 : i32
    %dma_wait3A_122 = tpu.memref_slice %arg4[%add3A_110, %dma_wait3A_121] : memref<102400x64xf32, #tpu.memory_space<hbm>> -> memref<640x64xf32, #tpu.memory_space<hbm>>
    tpu.wait_dma2 semaphore(%arg10 : memref<!tpu.dma_semaphore, #tpu.memory_space<semaphore_mem>>) src(%arg6 : memref<640x64xf32, #tpu.memory_space<vmem>>) dst(%dma_wait3A_122 : memref<640x64xf32, #tpu.memory_space<hbm>>)
    return
  }
}

</mosaic_0001>

<sc_bundles>
// kernel: kernel.4.cloned.1.call-start
scs
__scs_entry_jumppad:
0x0: {  	(pc) =	sbr.rel $0x88, $3  }
0x1: {  	(tag) =	ssettag $0x0;
	lr =	simm.s32 $0x1  }
0x2: {  	[smem:$0x3F9F] =	sst lr;
	_ =	strace $0xD0000000  }
0x3: {  	_ = 	snop  }
0x4: {  	_ = 	snop  }
0x5: {  	_ = 	snop  }
0x6: {  	_ = 	snop  }
0x7: {  	_ = 	snop  }
__scs_overlays_trampoline_lowered:
0x8: {  	[smem:$0x3FAE] =	sst s0  }
0x9: {  	[smem:$0x3FAF] =	sst s1  }
0xa: {  	[smem:$0x3FB0] =	sst s2  }
0xb: {  	[smem:$0x3FB1] =	sst s3  }
0xc: {  	[smem:$0x3FB2] =	sst s4  }
0xd: {  	[smem:$0x3FB3] =	sst s5  }
0xe: {  	[smem:$0x3FB4] =	sst s6  }
0xf: {  	[smem:$0x3FB5] =	sst s7  }
0x10: {  	[smem:$0x3FB6] =	sst s8  }
0x11: {  	[smem:$0x3FB7] =	sst s9;
	s0 =	simm.s32 @!p0 $0x0  }
0x12: {  	s1 =	sld [smem:$0x3F9D];
	s0 =	simm.s32 @p0 $0x1  }
0x13: {  	[smem:$0x3FB8] =	sst s0;
	s0 =	simm.s32 @!p1 $0x0  }
0x14: {  	s2 =	sld [smem:$0x3F9C];
	s0 =	simm.s32 @p1 $0x1  }
0x15: {  	[smem:$0x3FB9] =	sst s0;
	s0 =	simm.s32 @!p2 $0x0  }
0x16: {  	s3 =	sld [smem:$0x3FDB];
	s0 =	simm.s32 @p2 $0x1  }
0x17: {  	s4 =	simm.s32 $0x1BF5;
	[smem:$0x3FBB] =	sst s0  }
0x18: {  	s0 =	sld [smem:$0x3F9E];
	_ =	swait.ge [sflag:s4], $0x0  }
0x19: {  	s7 =	sld [smem:$0x3F9F]  }
0x1a: {  	s8 =	sadd.s32 $0xFFFFE003, lr  }
0x1b: {  	s9 =	sadd.s32 $0xFFFFFEF7, lr;
	s5 =	simm.s32 $0xFFFFFFFF;
	p2 =	slt.u32 s8, $0xFFFFF086  }
0x1c: {  	p1 =	slt.u32 s9, $0xF7A;
	s5 =	simm.s32 @!p2 $0x0  }
0x1d: {  	s5 =	simm.s32 @p1 $0x1;
	p0 =	seq.s32 s7, s2  }
0x1e: {  	s7 =	smul.u32 @!p0 $0xF7A, s2;
	p2 =	seq.s32 @!p0 s5, $0x0  }
0x1f: {  	s9 =	smul.u32 $0xF7A, s1;
	s8 =	simm.s32 @!p0 $0x1BF5;
	p2 =	por !p2, p0  }
0x20: {  	[sflag:s8] =	ssyncset.s32 @!p0 $0xFFFFF086;
	s6 =	sadd.s32 @!p0 s3, s7;
	s7 =	simm.s32 @!p0 $0x108  }
0x21: {  	s3 =	sadd.s32 s3, s9;
	s6 =	sadd.s32 @!p0 $0x88, s6;
	s7 =	simm.s32 @p2 $0x1082  }
0x22: {  	[simem:s7], [sflag:s8] =	dma.local @!p0 [hbm:s6], $0xF7A  }
0x23: {  	s9 =	sor.u32 $0xD0000000, s2;
	s6 =	simm.s32 $0x108;
	_ =	swait.ge @!p0 [sflag:s8], $0x0  }
0x24: {  	s3 =	sadd.s32 $0x88, s3;
	s6 =	simm.s32 @!p1 $0x1082;
	[sflag:s4] =	ssyncset.s32 $0xFFFFF086  }
0x25: {  	[simem:s6], [sflag:s4] =	dma.local [hbm:s3], $0xF7A  }
0x26: {  	[smem:$0x3F9F] =	sst s1;
	(tag) =	ssettag s2;
	_ =	strace s9  }
0x27: {  	s1 =	sld [smem:$0x3FAF]  }
0x28: {  	s2 =	sld [smem:$0x3FB0]  }
0x29: {  	s4 =	sld [smem:$0x3FB2]  }
0x2a: {  	p0 =	seq.s32 s5, $0x0;
	s5 =	sld [smem:$0x3FB3]  }
0x2b: {  	s6 =	sld [smem:$0x3FB4]  }
0x2c: {  	s7 =	sld [smem:$0x3FB5]  }
0x2d: {  	s3 =	simm.s32 $0x108;
	s8 =	sld [smem:$0x3FB6]  }
0x2e: {  	s3 =	simm.s32 @!p0 $0x1082;
	s9 =	sld [smem:$0x3FB7]  }
0x2f: {  	lr =	sadd.s32 s0, s3;
	s0 =	sld [smem:$0x3FAE]  }
0x30: {  	s3 =	sld [smem:$0x3FB1]  }
0x31: {  	[smem:$0x3FBA] =	sst s10  }
0x32: {  	s10 =	sld [smem:$0x3FB8];
	_ =	sdelay $0x3  }
0x33: {  	p0 =	seq.s32 s10, $0x1;
	s10 =	sld [smem:$0x3FBA];
	_ =	sdelay $0x3  }
0x34: {  	[smem:$0x3FBA] =	sst s10  }
0x35: {  	s10 =	sld [smem:$0x3FB9];
	_ =	sdelay $0x3  }
0x36: {  	p1 =	seq.s32 s10, $0x1;
	s10 =	sld [smem:$0x3FBA];
	_ =	sdelay $0x3  }
0x37: {  	[smem:$0x3FBA] =	sst s10  }
0x38: {  	s10 =	sld [smem:$0x3FBB]  }
0x39: {  	_ = 	snop;
	(pc) =	sbr.ind lr, $3  }
0x3a: {  	_ = 	snop  }
0x3b: {  	_ = 	snop  }
0x3c: {  	p2 =	seq.s32 s10, $0x1;
	s10 =	sld [smem:$0x3FBA]  }
0x3d: {  	_ =	shalt  }
0x3e: {  	_ =	shalt  }
0x3f: {  	_ =	shalt  }
0x40: {  	_ =	shalt  }
0x41: {  	_ =	shalt  }
0x42: {  	_ =	shalt  }
0x43: {  	_ =	shalt  }
0x44: {  	_ =	shalt  }
0x45: {  	_ =	shalt  }
0x46: {  	_ =	shalt  }
0x47: {  	_ =	shalt  }
0x48: {  	_ =	shalt  }
0x49: {  	_ =	shalt  }
0x4a: {  	_ =	shalt  }
0x4b: {  	_ =	shalt  }
0x4c: {  	_ =	shalt  }
0x4d: {  	_ =	shalt  }
0x4e: {  	_ =	shalt  }
0x4f: {  	_ =	shalt  }
0x50: {  	_ =	shalt  }
0x51: {  	_ =	shalt  }
0x52: {  	_ =	shalt  }
0x53: {  	_ =	shalt  }
0x54: {  	_ =	shalt  }
0x55: {  	_ =	shalt  }
0x56: {  	_ =	shalt  }
0x57: {  	_ =	shalt  }
0x58: {  	_ =	shalt  }
0x59: {  	_ =	shalt  }
0x5a: {  	_ =	shalt  }
0x5b: {  	_ =	shalt  }
0x5c: {  	_ =	shalt  }
0x5d: {  	_ =	shalt  }
0x5e: {  	_ =	shalt  }
0x5f: {  	_ =	shalt  }
0x60: {  	_ =	shalt  }
0x61: {  	_ =	shalt  }
0x62: {  	_ =	shalt  }
0x63: {  	_ =	shalt  }
0x64: {  	_ =	shalt  }
0x65: {  	_ =	shalt  }
0x66: {  	_ =	shalt  }
0x67: {  	_ =	shalt  }
0x68: {  	_ =	shalt  }
0x69: {  	_ =	shalt  }
0x6a: {  	_ =	shalt  }
0x6b: {  	_ =	shalt  }
0x6c: {  	_ =	shalt  }
0x6d: {  	_ =	shalt  }
0x6e: {  	_ =	shalt  }
0x6f: {  	_ =	shalt  }
0x70: {  	_ =	shalt  }
0x71: {  	_ =	shalt  }
0x72: {  	_ =	shalt  }
0x73: {  	_ =	shalt  }
0x74: {  	_ =	shalt  }
0x75: {  	_ =	shalt  }
0x76: {  	_ =	shalt  }
0x77: {  	_ =	shalt  }
0x78: {  	_ =	shalt  }
0x79: {  	_ =	shalt  }
0x7a: {  	_ =	shalt  }
0x7b: {  	_ =	shalt  }
0x7c: {  	_ =	shalt  }
0x7d: {  	_ =	shalt  }
0x7e: {  	_ =	shalt  }
0x7f: {  	_ =	shalt  }
0x80: {  	_ =	shalt  }
0x81: {  	_ =	shalt  }
0x82: {  	_ =	shalt  }
0x83: {  	_ =	shalt  }
0x84: {  	_ =	shalt  }
0x85: {  	_ =	shalt  }
0x86: {  	_ =	shalt  }
0x87: {  	_ =	shalt  }
.Lfunc_end0:
.L_simem_size_0:
called_computation_lowered:
.L_overlay_start_0:
0x88: {  	s2 =	sld [smem:$0x3FD9]  }
0x89: {  	s3 =	sld [smem:$0x3FFE];
	_ =	sdelay $0x1  }
0x8a: {  	s1 =	srdreg.scid  }
0x8b: {  	s0 =	sand.u32 $0x1, s1  }
0x8c: {  	s16 =	sshll.u32 s0, $0xA;
	s2 =	sadd.s32 s3, s2  }
0x8d: {  	s2 =	sadd.s32 s2, s16  }
0x8e: {  	[smem:$0x3FC6] =	sst s2  }
0x8f: {  	_ = 	snop  }
0x90: {  	(tm) =	ssettm $0x1  }
0x91: {  	s17 =	sld [smem:$0x3FFB];
	_ =	sdelay $0x3  }
0x92: {  	_ =	strace s17  }
0x93: {  	s2 =	sld [smem:$0x3FFC];
	_ =	sdelay $0x3  }
0x94: {  	_ =	strace s2  }
0x95: {  	s2 =	sld [smem:$0x3FFD];
	_ =	sdelay $0x3  }
0x96: {  	_ =	strace s2  }
0x97: {  	_ =	strace $0x8FFFFFFF  }
0x98: {  	s18 =	sld [smem:$0x3FDB];
	_ =	sdelay $0x1  }
0x99: {  	s19 =	simm.s32 $_scs_section_size  }
0x9a: {  	s4 =	simm.s32 $_size__tile_overlayer_lowered;
	s5 =	simm.s32 $_tile_overlayer_lowered  }
0x9b: {  	s22 =	simm.s32 $0x1BFF;
	s21 =	sshll.u32 s5, $0x1;
	s2 =	sadd.s32 s19, s18  }
0x9c: {  	s6 =	simm.s32 $0x0;
	s20 =	sshll.u32 s4, $0x1;
	s4 =	sadd.s32 s21, s2  }
0x9d: {  	[timem:s6], [sflag:s22] =	dma.local [hbm:s4], s20  }
0x9e: {  	_ =	swait.ge [sflag:s22], s20  }
0x9f: {  	s3 =	ssub.s32 $0x0, s20;
	[sflag:s22] =	ssyncset.done $0x0  }
0xa0: {  	[sflag:s22] =	ssyncadd.s32 s3;
	_ =	sdelay $0x1  }
0xa1: {  	s23 =	simm.s32 $0x1B8B  }
0xa2: {  	_ =	swait.ge [sflag:s23], $0x1  }
0xa3: {  	[sflag:s23] =	ssyncset.done $0x0  }
0xa4: {  	s25 =	simm.s32 $0x1B8E;
	s24 =	sld [smem:$0x3FFE];
	[sflag:s23] =	ssyncadd.s32 $0xFFFFFFFF  }
0xa5: {  	s26 =	simm.s32 $execute0_lowered;
	[smem:$0x3FD2] =	sst s25  }
0xa6: {  	s4 =	sshll.u32 s26, $0x1;
	_ =	strace $0x80000046;
	[dreg:$0x1] =	wrdreg $0xFFFFFFFF  }
0xa7: {  	s28 =	simm.s32 $_size_execute0_lowered;
	s2 =	sadd.s32 s2, s4;
	[dreg:$0x0] =	wrdreg $0x0  }
0xa8: {  	s4 =	sshll.u32 s28, $0x1;
	[dreg:$0x2] =	wrdreg s2  }
0xa9: {  	[dreg:$0x3] =	wrdreg s4  }
0xaa: {  	[dreg:$0x4] =	wrdreg $0xC0  }
0xab: {  	_ =	task [dreg:s6], $0x5FFFF  }
0xac: {  	[dreg:$0x1] =	wrdreg $0xFFFFFFFF  }
0xad: {  	[dreg:$0x0] =	wrdreg $0x60  }
0xae: {  	[dreg:$0x2] =	wrdreg s24  }
0xaf: {  	[dreg:$0x3] =	wrdreg $0x9  }
0xb0: {  	_ =	task.clear_ibuf [dreg:s6], $0x4FFFF;
	_ =	strace $0x90000046  }
0xb1: {  	s29 =	simm.s32 $0x9;
	_ =	strace $0x80000048  }
0xb2: {  	_ =	swait.ge [sflag:s29], $0x1  }
0xb3: {  	[sflag:s29] =	ssyncadd.s32 $0xFFFFFFFF  }
0xb4: {  	_ =	strace $0x90000048  }
0xb5: {  	_ =	sfence  }
0xb6: {  	s30 =	sld [smem:$0x0];
	_ =	sdelay $0x2  }
0xb7: {  	s31 =	sshll.u32 s1, $0xD;
	s1 =	sshrl.u32 s1, $0x2  }
0xb8: {  	s3 =	sand.u32 $0x4000, s31;
	s1 =	sadd.s32 s1, s30  }
0xb9: {  	s0 =	sor.u32 s3, s0;
	s1 =	sshll.u32 s1, $0x11  }
0xba: {  	s0 =	sor.u32 s1, s0  }
0xbb: {  	s0 =	sadd.s32 $0x8F2B, s0  }
0xbc: {  	[sflag:s0] =	ssyncadd.remote.s32 $0x1  }
0xbd: {  	_ =	sfence.sel $0xFFFF  }
0xbe: {  	[dreg:$0x0] =	wrdreg $0xFFFFFFFF;
	(pc) =	sbr.abs _section_cstart, $3  }
0xbf: {  	[dreg:$0x1] =	wrdreg $0xFFFFFFFF  }
0xc0: {  	_ =	task.clear_ibuf [dreg:s6], $0x2FFFF;
	_ =	strace $0x9FFFFFFF  }
0xc1: {  	(tm) =	ssettm $0x7FFFFFFF  }
tec
execute0_lowered:
.L_overlay_start_1:
0x0: {  	(tag) =	ssettag $0x1  }
0x1: {  	s1 =	srdreg.scid;
	s0 =	stileid.u32  }
0x2: {  	s20 =	sand.u32 $0x1, s1;
	s30 =	sshll.u32 s0, $0x1  }
0x3: {  	s12 =	sor.u32 s20, s30  }
0x4: {  	s3 =	smul.u32 $0x190, s12  }
0x5: {  	s10 =	rddreg [dreg:$0x0];
	s2 =	simm.s32 $0x0  }
0x6: {  	s4 =	simm.s32 $0x5;
	[smem:$0x7FF] =	sst s2;
	s3 =	sadd.s32 s3, s10  }
0x7: {  	s1 =	rddreg [dreg:$0x1];
	_ =	strace $0x80000047;
	s3 =	sadd.s32 $0xE00, s3  }
0x8: {  	[tilespmem:s2], [sflag:$0x5] =	stream.linear.gather [hbm4b:s3+s2], $0xC80, $0x38;
	[tilespmem:$0x14C80] =	vst v63  }
0x9: {  	_ =	swait.ge [sflag:s4], $0xC80  }
0xa: {  	s6 =	simm.s32 $0x280;
	[sflag:s4] =	ssyncset.done $0x0  }
0xb: {  	s7 =	simm.s32 $0xC80;
	s5 =	sadd.s32 $0xF43200, s10;
	[sflag:s4] =	ssyncadd.s32 $0xFFFFF380  }
0xc: {  	[tilespmem:s7], [sflag:$0x1] =	stream.indirect.gather [hbm4b:s5+s6], $0x40, s2, s6, $0xb8;
	[tilespmem:$0x14C80] =	vst v63  }
0xd: {  	s8 =	simm.s32 $0xAC80;
	s9 =	simm.s32 $0x1  }
0xe: {  	[tilespmem:s8], [sflag:$0x2] =	stream.indirect.gather [hbm4b:s5+s6], $0x40, s6, s6, $0xb8;
	[tilespmem:$0x14C80] =	vst v63  }
0xf: {  	s11 =	smul.u32 $0x6400, s12;
	_ =	swait.ge [sflag:s9], $0xA000  }
0x10: {  	s14 =	sadd.s32 $0x4000, s10;
	[sflag:s9] =	ssyncset.done $0x0  }
0x11: {  	s11 =	sadd.s32 s14, s11;
	s10 =	simm.s32 $0x3;
	[sflag:s9] =	ssyncadd.s32 $0xFFFF6000  }
0x12: {  	[hbm4b:s11+s2] =	stream.linear.scatter [tilespmem:s7], [sflag:$0x3], $0xA000, $0x38;
	[tilespmem:$0x14C80] =	vst v63  }
0x13: {  	_ =	swait.ge [sflag:s10], $0xA000  }
0x14: {  	s13 =	simm.s32 $0x2;
	[sflag:s10] =	ssyncset.done $0x0  }
0x15: {  	s15 =	smul.u32 $0x32000, s12;
	s12 =	simm.s32 $0x500;
	[sflag:s10] =	ssyncadd.s32 $0xFFFF6000  }
0x16: {  	[tilespmem:s7], [sflag:$0x1] =	stream.indirect.gather [hbm4b:s5+s6], $0x40, s12, s6, $0xb8;
	[tilespmem:$0x14C80] =	vst v63  }
0x17: {  	s15 =	sshrl.u32 s15, $0x3;
	_ =	swait.ge [sflag:s13], $0xA000  }
0x18: {  	s21 =	sadd.s32 s14, s15;
	[sflag:s13] =	ssyncset.done $0x0  }
0x19: {  	s15 =	simm.s32 $0x4;
	s14 =	sadd.s32 $0x1400, s21;
	[sflag:s13] =	ssyncadd.s32 $0xFFFF6000  }
0x1a: {  	[hbm4b:s14+s2] =	stream.linear.scatter [tilespmem:s8], [sflag:$0x4], $0xA000, $0x38;
	[tilespmem:$0x14C80] =	vst v63  }
0x1b: {  	_ =	swait.ge [sflag:s15], $0xA000  }
0x1c: {  	[sflag:s15] =	ssyncset.done $0x0  }
0x1d: {  	s16 =	simm.s32 $0x780;
	[sflag:s15] =	ssyncadd.s32 $0xFFFF6000  }
0x1e: {  	[tilespmem:s8], [sflag:$0x2] =	stream.indirect.gather [hbm4b:s5+s6], $0x40, s16, s6, $0xb8;
	[tilespmem:$0x14C80] =	vst v63  }
0x1f: {  	_ =	swait.ge [sflag:s9], $0xA000  }
0x20: {  	[sflag:s9] =	ssyncset.done $0x0  }
0x21: {  	s17 =	sadd.s32 $0x2800, s21;
	[sflag:s9] =	ssyncadd.s32 $0xFFFF6000  }
0x22: {  	[hbm4b:s17+s2] =	stream.linear.scatter [tilespmem:s7], [sflag:$0x3], $0xA000, $0x38;
	[tilespmem:$0x14C80] =	vst v63  }
0x23: {  	_ =	swait.ge [sflag:s10], $0xA000  }
0x24: {  	[sflag:s10] =	ssyncset.done $0x0  }
0x25: {  	s18 =	simm.s32 $0xA00;
	[sflag:s10] =	ssyncadd.s32 $0xFFFF6000  }
0x26: {  	[tilespmem:s7], [sflag:$0x1] =	stream.indirect.gather [hbm4b:s5+s6], $0x40, s18, s6, $0xb8;
	[tilespmem:$0x14C80] =	vst v63  }
0x27: {  	_ =	swait.ge [sflag:s13], $0xA000  }
0x28: {  	s22 =	ssub.s32 $0x2, s20;
	[sflag:s13] =	ssyncset.done $0x0  }
0x29: {  	s31 =	sshrl.u32 s22, $0x1;
	s19 =	sadd.s32 $0x3C00, s21;
	[sflag:s13] =	ssyncadd.s32 $0xFFFF6000  }
0x2a: {  	[hbm4b:s19+s2] =	stream.linear.scatter [tilespmem:s8], [sflag:$0x4], $0xA000, $0x38;
	[tilespmem:$0x14C80] =	vst v63  }
0x2b: {  	s20 =	sadd.s32 $0x5000, s21;
	s21 =	ssub.s32 s22, s31;
	_ =	swait.ge [sflag:s9], $0xA000  }
0x2c: {  	s21 =	smax.u32 s21, $0x1;
	[sflag:s9] =	ssyncset.done $0x0  }
0x2d: {  	p0 =	sne.s32 s21, $0x1;
	[sflag:s9] =	ssyncadd.s32 $0xFFFF6000  }
0x2e: {  	[hbm4b:s20+s2] =	stream.linear.scatter [tilespmem:s7], [sflag:$0x3], $0xA000, $0x38;
	[tilespmem:$0x14C80] =	vst v63  }
.Ltmp0:
0x2f: {  	_ =	swait.ge [sflag:s15], $0xA000;
	(pc) =	sbr.rel @!p0 .LBB2_2-.Ltmp0, $4  }
0x30: {  	[sflag:s15] =	ssyncset.done $0x0  }
0x31: {  	[sflag:s15] =	ssyncadd.s32 $0xFFFF6000  }
0x32: {  	_ =	swait.ge [sflag:s10], $0xA000  }
0x33: {  	s21 =	sadd.s32 $0xFFFFFFFF, s21;
	[sflag:s10] =	ssyncset.done $0x0  }
.LBB2_1:
0x34: {  	p0 =	sne.s32 s21, $0x1;
	s21 =	sadd.s32 $0xFFFFFFFF, s21;
	[sflag:s10] =	ssyncadd.s32 $0xFFFF6000  }
0x35: {  	[tilespmem:s2], [sflag:$0x5] =	stream.linear.gather [hbm4b:s3+s2], $0xC80, $0x38;
	[tilespmem:$0x14C80] =	vst v63  }
0x36: {  	_ =	swait.ge [sflag:s4], $0xC80  }
0x37: {  	[sflag:s4] =	ssyncset.done $0x0  }
0x38: {  	[sflag:s4] =	ssyncadd.s32 $0xFFFFF380  }
0x39: {  	[tilespmem:s7], [sflag:$0x1] =	stream.indirect.gather [hbm4b:s5+s6], $0x40, s2, s6, $0xb8;
	[tilespmem:$0x14C80] =	vst v63  }
0x3a: {  	_ = 	snop  }
0x3b: {  	[tilespmem:s8], [sflag:$0x2] =	stream.indirect.gather [hbm4b:s5+s6], $0x40, s6, s6, $0xb8;
	[tilespmem:$0x14C80] =	vst v63  }
0x3c: {  	_ =	swait.ge [sflag:s9], $0xA000  }
0x3d: {  	[sflag:s9] =	ssyncset.done $0x0  }
0x3e: {  	[sflag:s9] =	ssyncadd.s32 $0xFFFF6000  }
0x3f: {  	[hbm4b:s11+s2] =	stream.linear.scatter [tilespmem:s7], [sflag:$0x3], $0xA000, $0x38;
	[tilespmem:$0x14C80] =	vst v63  }
0x40: {  	_ =	swait.ge [sflag:s10], $0xA000  }
0x41: {  	[sflag:s10] =	ssyncset.done $0x0  }
0x42: {  	[sflag:s10] =	ssyncadd.s32 $0xFFFF6000  }
0x43: {  	[tilespmem:s7], [sflag:$0x1] =	stream.indirect.gather [hbm4b:s5+s6], $0x40, s12, s6, $0xb8;
	[tilespmem:$0x14C80] =	vst v63  }
0x44: {  	_ =	swait.ge [sflag:s13], $0xA000  }
0x45: {  	[sflag:s13] =	ssyncset.done $0x0  }
0x46: {  	[sflag:s13] =	ssyncadd.s32 $0xFFFF6000  }
0x47: {  	[hbm4b:s14+s2] =	stream.linear.scatter [tilespmem:s8], [sflag:$0x4], $0xA000, $0x38;
	[tilespmem:$0x14C80] =	vst v63  }
0x48: {  	_ =	swait.ge [sflag:s15], $0xA000  }
0x49: {  	[sflag:s15] =	ssyncset.done $0x0  }
0x4a: {  	[sflag:s15] =	ssyncadd.s32 $0xFFFF6000  }
0x4b: {  	[tilespmem:s8], [sflag:$0x2] =	stream.indirect.gather [hbm4b:s5+s6], $0x40, s16, s6, $0xb8;
	[tilespmem:$0x14C80] =	vst v63  }
0x4c: {  	_ =	swait.ge [sflag:s9], $0xA000  }
0x4d: {  	[sflag:s9] =	ssyncset.done $0x0  }
0x4e: {  	[sflag:s9] =	ssyncadd.s32 $0xFFFF6000  }
0x4f: {  	[hbm4b:s17+s2] =	stream.linear.scatter [tilespmem:s7], [sflag:$0x3], $0xA000, $0x38;
	[tilespmem:$0x14C80] =	vst v63  }
0x50: {  	_ =	swait.ge [sflag:s10], $0xA000  }
0x51: {  	[sflag:s10] =	ssyncset.done $0x0  }
0x52: {  	[sflag:s10] =	ssyncadd.s32 $0xFFFF6000  }
0x53: {  	[tilespmem:s7], [sflag:$0x1] =	stream.indirect.gather [hbm4b:s5+s6], $0x40, s18, s6, $0xb8;
	[tilespmem:$0x14C80] =	vst v63  }
0x54: {  	_ =	swait.ge [sflag:s13], $0xA000  }
0x55: {  	[sflag:s13] =	ssyncset.done $0x0  }
0x56: {  	[sflag:s13] =	ssyncadd.s32 $0xFFFF6000  }
0x57: {  	[hbm4b:s19+s2] =	stream.linear.scatter [tilespmem:s8], [sflag:$0x4], $0xA000, $0x38;
	[tilespmem:$0x14C80] =	vst v63  }
0x58: {  	_ =	swait.ge [sflag:s9], $0xA000  }
0x59: {  	[sflag:s9] =	ssyncset.done $0x0  }
0x5a: {  	[sflag:s9] =	ssyncadd.s32 $0xFFFF6000  }
0x5b: {  	[hbm4b:s20+s2] =	stream.linear.scatter [tilespmem:s7], [sflag:$0x3], $0xA000, $0x38;
	[tilespmem:$0x14C80] =	vst v63  }
.Ltmp1:
0x5c: {  	_ =	swait.ge [sflag:s15], $0xA000;
	(pc) =	sbr.rel @p0 .LBB2_1-.Ltmp1, $4  }
0x5d: {  	[sflag:s15] =	ssyncset.done $0x0  }
0x5e: {  	[sflag:s15] =	ssyncadd.s32 $0xFFFF6000  }
0x5f: {  	_ =	swait.ge [sflag:s10], $0xA000  }
0x60: {  	[sflag:s10] =	ssyncset.done $0x0  }
.LBB2_2:
0x61: {  	[sflag:s10] =	ssyncadd.s32 $0xFFFF6000  }
0x62: {  	_ =	sfence.sel $0x180000  }
0x63: {  	[bflag:$0x0] =	sbarrier.arrive $0xFFFF  }
0x64: {  	p0 =	sne.s32 s0, $0x0;
	_ =	strace $0x90000047  }
0x65: {  	s0 =	sadd.s32 @!p0 $0x100000, s1;
	[bflag:$0x2] =	sbarrier.arrive $0xFFFF  }
0x66: {  	[sflag:s0] =	ssyncadd.tile.s32 @!p0 $0x1;
	_ =	shalt  }
.Lfunc_end2:
_tile_overlayer_lowered:
.L_overlay_start_2:
0x67: {  	(tag) =	ssettag $0x2  }
0x68: {  	s0 =	rddreg [dreg:$0x0];
	s2 =	stileid.u32  }
0x69: {  	s1 =	rddreg [dreg:$0x1];
	p0 =	sne.s32 s2, $0x0  }
0x6a: {  	s3 =	rddreg [dreg:$0x2];
	[bflag:$0x3] =	sbarrier.arrive $0xFFFF;
	s2 =	simm.s32 @!p0 $0x1C05  }
0x6b: {  	[timem:s3], [sflag:s2] =	dma.local @!p0 [hbm:s0], s1  }
0x6c: {  	s0 =	simm.s32 @!p0 $0x5  }
0x6d: {  	_ =	swait.ge @!p0 [sflag:s0], s1  }
0x6e: {  	s1 =	ssub.s32 @!p0 $0x0, s1;
	[sflag:s0] =	ssyncset.done @!p0 $0x0  }
0x6f: {  	[sflag:s0] =	ssyncadd.s32 @!p0 s1  }
0x70: {  	[bflag:$0x3] =	sbarrier.arrive $0xFFFF  }
0x71: {  	_ =	shalt  }

// kernel: kernel.7.cloned.1.call-start
scs
__scs_entry_jumppad:
0x0: {  	(pc) =	sbr.rel $0x88, $3  }
0x1: {  	(tag) =	ssettag $0x0;
	lr =	simm.s32 $0x1  }
0x2: {  	[smem:$0x3F9F] =	sst lr;
	_ =	strace $0xD0000000  }
0x3: {  	_ = 	snop  }
0x4: {  	_ = 	snop  }
0x5: {  	_ = 	snop  }
0x6: {  	_ = 	snop  }
0x7: {  	_ = 	snop  }
__scs_overlays_trampoline_lowered:
0x8: {  	[smem:$0x3FAE] =	sst s0  }
0x9: {  	[smem:$0x3FAF] =	sst s1  }
0xa: {  	[smem:$0x3FB0] =	sst s2  }
0xb: {  	[smem:$0x3FB1] =	sst s3  }
0xc: {  	[smem:$0x3FB2] =	sst s4  }
0xd: {  	[smem:$0x3FB3] =	sst s5  }
0xe: {  	[smem:$0x3FB4] =	sst s6  }
0xf: {  	[smem:$0x3FB5] =	sst s7  }
0x10: {  	[smem:$0x3FB6] =	sst s8  }
0x11: {  	[smem:$0x3FB7] =	sst s9;
	s0 =	simm.s32 @!p0 $0x0  }
0x12: {  	s1 =	sld [smem:$0x3F9D];
	s0 =	simm.s32 @p0 $0x1  }
0x13: {  	[smem:$0x3FB8] =	sst s0;
	s0 =	simm.s32 @!p1 $0x0  }
0x14: {  	s2 =	sld [smem:$0x3F9C];
	s0 =	simm.s32 @p1 $0x1  }
0x15: {  	[smem:$0x3FB9] =	sst s0;
	s0 =	simm.s32 @!p2 $0x0  }
0x16: {  	s3 =	sld [smem:$0x3FDB];
	s0 =	simm.s32 @p2 $0x1  }
0x17: {  	s4 =	simm.s32 $0x1BF5;
	[smem:$0x3FBB] =	sst s0  }
0x18: {  	s0 =	sld [smem:$0x3F9E];
	_ =	swait.ge [sflag:s4], $0x0  }
0x19: {  	s7 =	sld [smem:$0x3F9F]  }
0x1a: {  	s8 =	sadd.s32 $0xFFFFE003, lr  }
0x1b: {  	s9 =	sadd.s32 $0xFFFFFEF7, lr;
	s5 =	simm.s32 $0xFFFFFFFF;
	p2 =	slt.u32 s8, $0xFFFFF086  }
0x1c: {  	p1 =	slt.u32 s9, $0xF7A;
	s5 =	simm.s32 @!p2 $0x0  }
0x1d: {  	s5 =	simm.s32 @p1 $0x1;
	p0 =	seq.s32 s7, s2  }
0x1e: {  	s7 =	smul.u32 @!p0 $0xF7A, s2;
	p2 =	seq.s32 @!p0 s5, $0x0  }
0x1f: {  	s9 =	smul.u32 $0xF7A, s1;
	s8 =	simm.s32 @!p0 $0x1BF5;
	p2 =	por !p2, p0  }
0x20: {  	[sflag:s8] =	ssyncset.s32 @!p0 $0xFFFFF086;
	s6 =	sadd.s32 @!p0 s3, s7;
	s7 =	simm.s32 @!p0 $0x108  }
0x21: {  	s3 =	sadd.s32 s3, s9;
	s6 =	sadd.s32 @!p0 $0x88, s6;
	s7 =	simm.s32 @p2 $0x1082  }
0x22: {  	[simem:s7], [sflag:s8] =	dma.local @!p0 [hbm:s6], $0xF7A  }
0x23: {  	s9 =	sor.u32 $0xD0000000, s2;
	s6 =	simm.s32 $0x108;
	_ =	swait.ge @!p0 [sflag:s8], $0x0  }
0x24: {  	s3 =	sadd.s32 $0x88, s3;
	s6 =	simm.s32 @!p1 $0x1082;
	[sflag:s4] =	ssyncset.s32 $0xFFFFF086  }
0x25: {  	[simem:s6], [sflag:s4] =	dma.local [hbm:s3], $0xF7A  }
0x26: {  	[smem:$0x3F9F] =	sst s1;
	(tag) =	ssettag s2;
	_ =	strace s9  }
0x27: {  	s1 =	sld [smem:$0x3FAF]  }
0x28: {  	s2 =	sld [smem:$0x3FB0]  }
0x29: {  	s4 =	sld [smem:$0x3FB2]  }
0x2a: {  	p0 =	seq.s32 s5, $0x0;
	s5 =	sld [smem:$0x3FB3]  }
0x2b: {  	s6 =	sld [smem:$0x3FB4]  }
0x2c: {  	s7 =	sld [smem:$0x3FB5]  }
0x2d: {  	s3 =	simm.s32 $0x108;
	s8 =	sld [smem:$0x3FB6]  }
0x2e: {  	s3 =	simm.s32 @!p0 $0x1082;
	s9 =	sld [smem:$0x3FB7]  }
0x2f: {  	lr =	sadd.s32 s0, s3;
	s0 =	sld [smem:$0x3FAE]  }
0x30: {  	s3 =	sld [smem:$0x3FB1]  }
0x31: {  	[smem:$0x3FBA] =	sst s10  }
0x32: {  	s10 =	sld [smem:$0x3FB8];
	_ =	sdelay $0x3  }
0x33: {  	p0 =	seq.s32 s10, $0x1;
	s10 =	sld [smem:$0x3FBA];
	_ =	sdelay $0x3  }
0x34: {  	[smem:$0x3FBA] =	sst s10  }
0x35: {  	s10 =	sld [smem:$0x3FB9];
	_ =	sdelay $0x3  }
0x36: {  	p1 =	seq.s32 s10, $0x1;
	s10 =	sld [smem:$0x3FBA];
	_ =	sdelay $0x3  }
0x37: {  	[smem:$0x3FBA] =	sst s10  }
0x38: {  	s10 =	sld [smem:$0x3FBB]  }
0x39: {  	_ = 	snop;
	(pc) =	sbr.ind lr, $3  }
0x3a: {  	_ = 	snop  }
0x3b: {  	_ = 	snop  }
0x3c: {  	p2 =	seq.s32 s10, $0x1;
	s10 =	sld [smem:$0x3FBA]  }
0x3d: {  	_ =	shalt  }
0x3e: {  	_ =	shalt  }
0x3f: {  	_ =	shalt  }
0x40: {  	_ =	shalt  }
0x41: {  	_ =	shalt  }
0x42: {  	_ =	shalt  }
0x43: {  	_ =	shalt  }
0x44: {  	_ =	shalt  }
0x45: {  	_ =	shalt  }
0x46: {  	_ =	shalt  }
0x47: {  	_ =	shalt  }
0x48: {  	_ =	shalt  }
0x49: {  	_ =	shalt  }
0x4a: {  	_ =	shalt  }
0x4b: {  	_ =	shalt  }
0x4c: {  	_ =	shalt  }
0x4d: {  	_ =	shalt  }
0x4e: {  	_ =	shalt  }
0x4f: {  	_ =	shalt  }
0x50: {  	_ =	shalt  }
0x51: {  	_ =	shalt  }
0x52: {  	_ =	shalt  }
0x53: {  	_ =	shalt  }
0x54: {  	_ =	shalt  }
0x55: {  	_ =	shalt  }
0x56: {  	_ =	shalt  }
0x57: {  	_ =	shalt  }
0x58: {  	_ =	shalt  }
0x59: {  	_ =	shalt  }
0x5a: {  	_ =	shalt  }
0x5b: {  	_ =	shalt  }
0x5c: {  	_ =	shalt  }
0x5d: {  	_ =	shalt  }
0x5e: {  	_ =	shalt  }
0x5f: {  	_ =	shalt  }
0x60: {  	_ =	shalt  }
0x61: {  	_ =	shalt  }
0x62: {  	_ =	shalt  }
0x63: {  	_ =	shalt  }
0x64: {  	_ =	shalt  }
0x65: {  	_ =	shalt  }
0x66: {  	_ =	shalt  }
0x67: {  	_ =	shalt  }
0x68: {  	_ =	shalt  }
0x69: {  	_ =	shalt  }
0x6a: {  	_ =	shalt  }
0x6b: {  	_ =	shalt  }
0x6c: {  	_ =	shalt  }
0x6d: {  	_ =	shalt  }
0x6e: {  	_ =	shalt  }
0x6f: {  	_ =	shalt  }
0x70: {  	_ =	shalt  }
0x71: {  	_ =	shalt  }
0x72: {  	_ =	shalt  }
0x73: {  	_ =	shalt  }
0x74: {  	_ =	shalt  }
0x75: {  	_ =	shalt  }
0x76: {  	_ =	shalt  }
0x77: {  	_ =	shalt  }
0x78: {  	_ =	shalt  }
0x79: {  	_ =	shalt  }
0x7a: {  	_ =	shalt  }
0x7b: {  	_ =	shalt  }
0x7c: {  	_ =	shalt  }
0x7d: {  	_ =	shalt  }
0x7e: {  	_ =	shalt  }
0x7f: {  	_ =	shalt  }
0x80: {  	_ =	shalt  }
0x81: {  	_ =	shalt  }
0x82: {  	_ =	shalt  }
0x83: {  	_ =	shalt  }
0x84: {  	_ =	shalt  }
0x85: {  	_ =	shalt  }
0x86: {  	_ =	shalt  }
0x87: {  	_ =	shalt  }
.Lfunc_end0:
.L_simem_size_0:
called_computation.1_lowered:
.L_overlay_start_0:
0x88: {  	s2 =	sld [smem:$0x3FD9]  }
0x89: {  	s3 =	sld [smem:$0x3FFE];
	_ =	sdelay $0x1  }
0x8a: {  	s1 =	srdreg.scid  }
0x8b: {  	s0 =	sand.u32 $0x1, s1  }
0x8c: {  	s17 =	sshll.u32 s0, $0xA;
	s2 =	sadd.s32 s3, s2  }
0x8d: {  	s2 =	sadd.s32 s2, s17  }
0x8e: {  	[smem:$0x3FC6] =	sst s2  }
0x8f: {  	_ = 	snop  }
0x90: {  	s18 =	sld [smem:$0x3FD0];
	(tm) =	ssettm $0x1  }
0x91: {  	s19 =	sld [smem:$0x3FFB];
	_ =	sdelay $0x3  }
0x92: {  	_ =	strace s19  }
0x93: {  	s2 =	sld [smem:$0x3FFC];
	_ =	sdelay $0x3  }
0x94: {  	_ =	strace s2  }
0x95: {  	s2 =	sld [smem:$0x3FFD];
	_ =	sdelay $0x3  }
0x96: {  	_ =	strace s2  }
0x97: {  	_ =	strace $0x8FFFFFFF  }
0x98: {  	s20 =	sld [smem:$0x3FDB];
	_ =	sdelay $0x1  }
0x99: {  	s4 =	simm.s32 $_scs_section_size  }
0x9a: {  	s5 =	simm.s32 $_size__tile_overlayer_lowered;
	s6 =	simm.s32 $_tile_overlayer_lowered  }
0x9b: {  	s7 =	simm.s32 $0x1BFF;
	s21 =	sshll.u32 s6, $0x1;
	s4 =	sadd.s32 s4, s20  }
0x9c: {  	s22 =	simm.s32 $0x0;
	s5 =	sshll.u32 s5, $0x1;
	s6 =	sadd.s32 s21, s4  }
0x9d: {  	[timem:s22], [sflag:s7] =	dma.local [hbm:s6], s5  }
0x9e: {  	_ =	swait.ge [sflag:s7], s5  }
0x9f: {  	s5 =	ssub.s32 $0x0, s5;
	[sflag:s7] =	ssyncset.done $0x0  }
0xa0: {  	[sflag:s7] =	ssyncadd.s32 s5;
	_ =	sdelay $0x1  }
0xa1: {  	s23 =	simm.s32 $0x1B8B  }
0xa2: {  	_ =	swait.ge [sflag:s23], $0x1  }
0xa3: {  	[sflag:s23] =	ssyncset.done $0x0  }
0xa4: {  	[sflag:s23] =	ssyncadd.s32 $0xFFFFFFFF  }
0xa5: {  	s5 =	sld [smem:$0x0]  }
0xa6: {  	s6 =	sand.u32 $0xFFFFFFFE, s1  }
0xa7: {  	p0 =	sne.s32 s1, s6  }
0xa8: {  	s6 =	sshll.u32 @p0 s6, $0xE  }
0xa9: {  	s6 =	sadd.s32 @p0 $0x11B8D, s6;
	s7 =	sshll.u32 @p0 s5, $0x11  }
0xaa: {  	s6 =	sor.u32 @p0 s7, s6  }
0xab: {  	[sflag:s6] =	ssyncadd.remote.s32 @p0 $0x1;
	_ =	sdelay $0x1  }
0xac: {  	s6 =	simm.s32 @p0 $0x1B8D  }
0xad: {  	_ =	swait.eq @p0 [sflag:s6], $0x1  }
0xae: {  	[sflag:s6] =	ssyncadd.s32 @p0 $0xFFFFFFFF  }
0xaf: {  	s7 =	sshll.u32 @!p0 s1, $0xE  }
0xb0: {  	s7 =	sor.u32 @!p0 $0x4000, s7;
	s6 =	simm.s32 @!p0 $0x1B8D  }
0xb1: {  	s5 =	sshll.u32 @!p0 s5, $0x11;
	s7 =	sadd.s32 @!p0 $0x11B8D, s7;
	_ =	swait.eq @!p0 [sflag:s6], $0x1  }
0xb2: {  	s5 =	sor.u32 @!p0 s5, s7;
	[sflag:s6] =	ssyncadd.s32 @!p0 $0xFFFFFFFF  }
0xb3: {  	s25 =	simm.s32 $0x1B8E;
	s24 =	sld [smem:$0x3FFE];
	[sflag:s5] =	ssyncadd.remote.s32 @!p0 $0x1  }
0xb4: {  	s26 =	simm.s32 $execute0_lowered;
	[smem:$0x3FD2] =	sst s25  }
0xb5: {  	s6 =	sshll.u32 s26, $0x1;
	_ =	strace $0x80000049;
	[dreg:$0x1] =	wrdreg $0xFFFFFFFF  }
0xb6: {  	s28 =	simm.s32 $_size_execute0_lowered;
	s4 =	sadd.s32 s4, s6;
	[dreg:$0x0] =	wrdreg $0x0  }
0xb7: {  	s6 =	sshll.u32 s28, $0x1;
	[dreg:$0x2] =	wrdreg s4  }
0xb8: {  	[dreg:$0x3] =	wrdreg s6  }
0xb9: {  	[dreg:$0x4] =	wrdreg $0xC0  }
0xba: {  	_ =	task [dreg:s22], $0x5FFFF  }
0xbb: {  	[dreg:$0x1] =	wrdreg $0xFFFFFFFF  }
0xbc: {  	[dreg:$0x0] =	wrdreg $0x60  }
0xbd: {  	[dreg:$0x2] =	wrdreg s24  }
0xbe: {  	[dreg:$0x3] =	wrdreg s18  }
0xbf: {  	[dreg:$0x4] =	wrdreg $0xA  }
0xc0: {  	_ =	task.clear_ibuf [dreg:s22], $0x5FFFF;
	_ =	strace $0x90000049  }
0xc1: {  	s29 =	simm.s32 $0xA;
	_ =	strace $0x8000004B  }
0xc2: {  	_ =	swait.ge [sflag:s29], $0x1  }
0xc3: {  	[sflag:s29] =	ssyncadd.s32 $0xFFFFFFFF  }
0xc4: {  	_ =	strace $0x9000004B  }
0xc5: {  	_ =	sfence  }
0xc6: {  	s30 =	sld [smem:$0x0];
	_ =	sdelay $0x2  }
0xc7: {  	s31 =	sshll.u32 s1, $0xD;
	s1 =	sshrl.u32 s1, $0x2  }
0xc8: {  	s4 =	sand.u32 $0x4000, s31;
	s1 =	sadd.s32 s1, s30  }
0xc9: {  	s0 =	sor.u32 s4, s0;
	s1 =	sshll.u32 s1, $0x11  }
0xca: {  	s0 =	sor.u32 s1, s0  }
0xcb: {  	s0 =	sadd.s32 $0x8F2B, s0  }
0xcc: {  	[sflag:s0] =	ssyncadd.remote.s32 $0x1  }
0xcd: {  	_ =	sfence.sel $0xFFFF  }
0xce: {  	[dreg:$0x0] =	wrdreg $0xFFFFFFFF;
	(pc) =	sbr.abs _section_cstart, $3  }
0xcf: {  	[dreg:$0x1] =	wrdreg $0xFFFFFFFF  }
0xd0: {  	_ =	task.clear_ibuf [dreg:s22], $0x2FFFF;
	_ =	strace $0x9FFFFFFF  }
0xd1: {  	(tm) =	ssettm $0x7FFFFFFF  }
tec
execute0_lowered:
.L_overlay_start_1:
0x0: {  	(tag) =	ssettag $0x1  }
0x1: {  	s1 =	srdreg.scid;
	s0 =	stileid.u32  }
0x2: {  	s20 =	sand.u32 $0x1, s1;
	s30 =	sshll.u32 s0, $0x1  }
0x3: {  	s12 =	sor.u32 s20, s30  }
0x4: {  	s5 =	rddreg [dreg:$0x0];
	s3 =	smul.u32 $0x190, s12  }
0x5: {  	s14 =	rddreg [dreg:$0x1];
	s2 =	simm.s32 $0x0  }
0x6: {  	s4 =	simm.s32 $0x5;
	[smem:$0x7FF] =	sst s2;
	s3 =	sadd.s32 s3, s5  }
0x7: {  	s1 =	rddreg [dreg:$0x2];
	_ =	strace $0x8000004A;
	s3 =	sadd.s32 $0xCC000, s3  }
0x8: {  	[tilespmem:s2], [sflag:$0x5] =	stream.linear.gather [hbm4b:s3+s2], $0xC80, $0x38;
	[tilespmem:$0x14C80] =	vst v63  }
0x9: {  	_ =	swait.ge [sflag:s4], $0xC80  }
0xa: {  	s6 =	simm.s32 $0x280;
	[sflag:s4] =	ssyncset.done $0x0  }
0xb: {  	s7 =	simm.s32 $0xC80;
	s5 =	sadd.s32 $0xF43200, s5;
	[sflag:s4] =	ssyncadd.s32 $0xFFFFF380  }
0xc: {  	[tilespmem:s7], [sflag:$0x1] =	stream.indirect.gather [hbm4b:s5+s6], $0x40, s2, s6, $0xb8;
	[tilespmem:$0x14C80] =	vst v63  }
0xd: {  	s8 =	simm.s32 $0xAC80;
	s9 =	simm.s32 $0x1  }
0xe: {  	[tilespmem:s8], [sflag:$0x2] =	stream.indirect.gather [hbm4b:s5+s6], $0x40, s6, s6, $0xb8;
	[tilespmem:$0x14C80] =	vst v63  }
0xf: {  	s10 =	smul.u32 $0x6400, s12;
	_ =	swait.ge [sflag:s9], $0xA000  }
0x10: {  	[sflag:s9] =	ssyncset.done $0x0  }
0x11: {  	s11 =	sadd.s32 s14, s10;
	s10 =	simm.s32 $0x3;
	[sflag:s9] =	ssyncadd.s32 $0xFFFF6000  }
0x12: {  	[hbm4b:s11+s2] =	stream.linear.scatter [tilespmem:s7], [sflag:$0x3], $0xA000, $0x38;
	[tilespmem:$0x14C80] =	vst v63  }
0x13: {  	_ =	swait.ge [sflag:s10], $0xA000  }
0x14: {  	s13 =	simm.s32 $0x2;
	[sflag:s10] =	ssyncset.done $0x0  }
0x15: {  	s15 =	smul.u32 $0x32000, s12;
	s12 =	simm.s32 $0x500;
	[sflag:s10] =	ssyncadd.s32 $0xFFFF6000  }
0x16: {  	[tilespmem:s7], [sflag:$0x1] =	stream.indirect.gather [hbm4b:s5+s6], $0x40, s12, s6, $0xb8;
	[tilespmem:$0x14C80] =	vst v63  }
0x17: {  	s15 =	sshrl.u32 s15, $0x3;
	_ =	swait.ge [sflag:s13], $0xA000  }
0x18: {  	s21 =	sadd.s32 s14, s15;
	[sflag:s13] =	ssyncset.done $0x0  }
0x19: {  	s15 =	simm.s32 $0x4;
	s14 =	sadd.s32 $0x1400, s21;
	[sflag:s13] =	ssyncadd.s32 $0xFFFF6000  }
0x1a: {  	[hbm4b:s14+s2] =	stream.linear.scatter [tilespmem:s8], [sflag:$0x4], $0xA000, $0x38;
	[tilespmem:$0x14C80] =	vst v63  }
0x1b: {  	_ =	swait.ge [sflag:s15], $0xA000  }
0x1c: {  	[sflag:s15] =	ssyncset.done $0x0  }
0x1d: {  	s16 =	simm.s32 $0x780;
	[sflag:s15] =	ssyncadd.s32 $0xFFFF6000  }
0x1e: {  	[tilespmem:s8], [sflag:$0x2] =	stream.indirect.gather [hbm4b:s5+s6], $0x40, s16, s6, $0xb8;
	[tilespmem:$0x14C80] =	vst v63  }
0x1f: {  	_ =	swait.ge [sflag:s9], $0xA000  }
0x20: {  	[sflag:s9] =	ssyncset.done $0x0  }
0x21: {  	s17 =	sadd.s32 $0x2800, s21;
	[sflag:s9] =	ssyncadd.s32 $0xFFFF6000  }
0x22: {  	[hbm4b:s17+s2] =	stream.linear.scatter [tilespmem:s7], [sflag:$0x3], $0xA000, $0x38;
	[tilespmem:$0x14C80] =	vst v63  }
0x23: {  	_ =	swait.ge [sflag:s10], $0xA000  }
0x24: {  	[sflag:s10] =	ssyncset.done $0x0  }
0x25: {  	s18 =	simm.s32 $0xA00;
	[sflag:s10] =	ssyncadd.s32 $0xFFFF6000  }
0x26: {  	[tilespmem:s7], [sflag:$0x1] =	stream.indirect.gather [hbm4b:s5+s6], $0x40, s18, s6, $0xb8;
	[tilespmem:$0x14C80] =	vst v63  }
0x27: {  	_ =	swait.ge [sflag:s13], $0xA000  }
0x28: {  	s22 =	ssub.s32 $0x2, s20;
	[sflag:s13] =	ssyncset.done $0x0  }
0x29: {  	s31 =	sshrl.u32 s22, $0x1;
	s19 =	sadd.s32 $0x3C00, s21;
	[sflag:s13] =	ssyncadd.s32 $0xFFFF6000  }
0x2a: {  	[hbm4b:s19+s2] =	stream.linear.scatter [tilespmem:s8], [sflag:$0x4], $0xA000, $0x38;
	[tilespmem:$0x14C80] =	vst v63  }
0x2b: {  	s20 =	sadd.s32 $0x5000, s21;
	s21 =	ssub.s32 s22, s31;
	_ =	swait.ge [sflag:s9], $0xA000  }
0x2c: {  	s21 =	smax.u32 s21, $0x1;
	[sflag:s9] =	ssyncset.done $0x0  }
0x2d: {  	p0 =	sne.s32 s21, $0x1;
	[sflag:s9] =	ssyncadd.s32 $0xFFFF6000  }
0x2e: {  	[hbm4b:s20+s2] =	stream.linear.scatter [tilespmem:s7], [sflag:$0x3], $0xA000, $0x38;
	[tilespmem:$0x14C80] =	vst v63  }
.Ltmp0:
0x2f: {  	_ =	swait.ge [sflag:s15], $0xA000;
	(pc) =	sbr.rel @!p0 .LBB2_2-.Ltmp0, $4  }
0x30: {  	[sflag:s15] =	ssyncset.done $0x0  }
0x31: {  	[sflag:s15] =	ssyncadd.s32 $0xFFFF6000  }
0x32: {  	_ =	swait.ge [sflag:s10], $0xA000  }
0x33: {  	s21 =	sadd.s32 $0xFFFFFFFF, s21;
	[sflag:s10] =	ssyncset.done $0x0  }
.LBB2_1:
0x34: {  	p0 =	sne.s32 s21, $0x1;
	s21 =	sadd.s32 $0xFFFFFFFF, s21;
	[sflag:s10] =	ssyncadd.s32 $0xFFFF6000  }
0x35: {  	[tilespmem:s2], [sflag:$0x5] =	stream.linear.gather [hbm4b:s3+s2], $0xC80, $0x38;
	[tilespmem:$0x14C80] =	vst v63  }
0x36: {  	_ =	swait.ge [sflag:s4], $0xC80  }
0x37: {  	[sflag:s4] =	ssyncset.done $0x0  }
0x38: {  	[sflag:s4] =	ssyncadd.s32 $0xFFFFF380  }
0x39: {  	[tilespmem:s7], [sflag:$0x1] =	stream.indirect.gather [hbm4b:s5+s6], $0x40, s2, s6, $0xb8;
	[tilespmem:$0x14C80] =	vst v63  }
0x3a: {  	_ = 	snop  }
0x3b: {  	[tilespmem:s8], [sflag:$0x2] =	stream.indirect.gather [hbm4b:s5+s6], $0x40, s6, s6, $0xb8;
	[tilespmem:$0x14C80] =	vst v63  }
0x3c: {  	_ =	swait.ge [sflag:s9], $0xA000  }
0x3d: {  	[sflag:s9] =	ssyncset.done $0x0  }
0x3e: {  	[sflag:s9] =	ssyncadd.s32 $0xFFFF6000  }
0x3f: {  	[hbm4b:s11+s2] =	stream.linear.scatter [tilespmem:s7], [sflag:$0x3], $0xA000, $0x38;
	[tilespmem:$0x14C80] =	vst v63  }
0x40: {  	_ =	swait.ge [sflag:s10], $0xA000  }
0x41: {  	[sflag:s10] =	ssyncset.done $0x0  }
0x42: {  	[sflag:s10] =	ssyncadd.s32 $0xFFFF6000  }
0x43: {  	[tilespmem:s7], [sflag:$0x1] =	stream.indirect.gather [hbm4b:s5+s6], $0x40, s12, s6, $0xb8;
	[tilespmem:$0x14C80] =	vst v63  }
0x44: {  	_ =	swait.ge [sflag:s13], $0xA000  }
0x45: {  	[sflag:s13] =	ssyncset.done $0x0  }
0x46: {  	[sflag:s13] =	ssyncadd.s32 $0xFFFF6000  }
0x47: {  	[hbm4b:s14+s2] =	stream.linear.scatter [tilespmem:s8], [sflag:$0x4], $0xA000, $0x38;
	[tilespmem:$0x14C80] =	vst v63  }
0x48: {  	_ =	swait.ge [sflag:s15], $0xA000  }
0x49: {  	[sflag:s15] =	ssyncset.done $0x0  }
0x4a: {  	[sflag:s15] =	ssyncadd.s32 $0xFFFF6000  }
0x4b: {  	[tilespmem:s8], [sflag:$0x2] =	stream.indirect.gather [hbm4b:s5+s6], $0x40, s16, s6, $0xb8;
	[tilespmem:$0x14C80] =	vst v63  }
0x4c: {  	_ =	swait.ge [sflag:s9], $0xA000  }
0x4d: {  	[sflag:s9] =	ssyncset.done $0x0  }
0x4e: {  	[sflag:s9] =	ssyncadd.s32 $0xFFFF6000  }
0x4f: {  	[hbm4b:s17+s2] =	stream.linear.scatter [tilespmem:s7], [sflag:$0x3], $0xA000, $0x38;
	[tilespmem:$0x14C80] =	vst v63  }
0x50: {  	_ =	swait.ge [sflag:s10], $0xA000  }
0x51: {  	[sflag:s10] =	ssyncset.done $0x0  }
0x52: {  	[sflag:s10] =	ssyncadd.s32 $0xFFFF6000  }
0x53: {  	[tilespmem:s7], [sflag:$0x1] =	stream.indirect.gather [hbm4b:s5+s6], $0x40, s18, s6, $0xb8;
	[tilespmem:$0x14C80] =	vst v63  }
0x54: {  	_ =	swait.ge [sflag:s13], $0xA000  }
0x55: {  	[sflag:s13] =	ssyncset.done $0x0  }
0x56: {  	[sflag:s13] =	ssyncadd.s32 $0xFFFF6000  }
0x57: {  	[hbm4b:s19+s2] =	stream.linear.scatter [tilespmem:s8], [sflag:$0x4], $0xA000, $0x38;
	[tilespmem:$0x14C80] =	vst v63  }
0x58: {  	_ =	swait.ge [sflag:s9], $0xA000  }
0x59: {  	[sflag:s9] =	ssyncset.done $0x0  }
0x5a: {  	[sflag:s9] =	ssyncadd.s32 $0xFFFF6000  }
0x5b: {  	[hbm4b:s20+s2] =	stream.linear.scatter [tilespmem:s7], [sflag:$0x3], $0xA000, $0x38;
	[tilespmem:$0x14C80] =	vst v63  }
.Ltmp1:
0x5c: {  	_ =	swait.ge [sflag:s15], $0xA000;
	(pc) =	sbr.rel @p0 .LBB2_1-.Ltmp1, $4  }
0x5d: {  	[sflag:s15] =	ssyncset.done $0x0  }
0x5e: {  	[sflag:s15] =	ssyncadd.s32 $0xFFFF6000  }
0x5f: {  	_ =	swait.ge [sflag:s10], $0xA000  }
0x60: {  	[sflag:s10] =	ssyncset.done $0x0  }
.LBB2_2:
0x61: {  	[sflag:s10] =	ssyncadd.s32 $0xFFFF6000  }
0x62: {  	_ =	sfence.sel $0x180000  }
0x63: {  	[bflag:$0x0] =	sbarrier.arrive $0xFFFF  }
0x64: {  	p0 =	sne.s32 s0, $0x0;
	_ =	strace $0x9000004A  }
0x65: {  	s0 =	sadd.s32 @!p0 $0x100000, s1;
	[bflag:$0x2] =	sbarrier.arrive $0xFFFF  }
0x66: {  	[sflag:s0] =	ssyncadd.tile.s32 @!p0 $0x1;
	_ =	shalt  }
.Lfunc_end2:
_tile_overlayer_lowered:
.L_overlay_start_2:
0x67: {  	(tag) =	ssettag $0x2  }
0x68: {  	s0 =	rddreg [dreg:$0x0];
	s2 =	stileid.u32  }
0x69: {  	s1 =	rddreg [dreg:$0x1];
	p0 =	sne.s32 s2, $0x0  }
0x6a: {  	s3 =	rddreg [dreg:$0x2];
	[bflag:$0x3] =	sbarrier.arrive $0xFFFF;
	s2 =	simm.s32 @!p0 $0x1C05  }
0x6b: {  	[timem:s3], [sflag:s2] =	dma.local @!p0 [hbm:s0], s1  }
0x6c: {  	s0 =	simm.s32 @!p0 $0x5  }
0x6d: {  	_ =	swait.ge @!p0 [sflag:s0], s1  }
0x6e: {  	s1 =	ssub.s32 @!p0 $0x0, s1;
	[sflag:s0] =	ssyncset.done @!p0 $0x0  }
0x6f: {  	[sflag:s0] =	ssyncadd.s32 @!p0 s1  }
0x70: {  	[bflag:$0x3] =	sbarrier.arrive $0xFFFF  }
0x71: {  	_ =	shalt  }

</sc_bundles>
